<compile_context>
chip_gen: v7x
topology: tpu7x:2x2x1
jax: 0.10.2.dev20260603
libtpu: 0.0.44.dev20260713+nightly
codegen_flags: <defaults>
</compile_context>

<pallas_src>
import jax
import jax.numpy as jnp
from jax import lax
from jax.experimental import pallas as pl
from jax.experimental.pallas import tpu as pltpu
from jax.experimental.pallas import tpu_sc as plsc

INPUT_DIM = 100000
OUTPUT_DIM = 64
INPUT_LENGTH = 200
BATCH = 4096

_NC = 2
_NS = 16
_NW = _NC * _NS
_SEQ_PER_CHUNK = 2
_CHUNK = _SEQ_PER_CHUNK * INPUT_LENGTH
_C_PER_W = BATCH // _NW // _SEQ_PER_CHUNK
_NBUF = 4


def _emb_body(x_hbm, tok_hbm, pos_hbm, out_hbm,
              pos_v, i0, i1, i2, i3, r0, r1, r2, r3,
              g0, g1, g2, g3, o0, o1, o2, o3, s0, s1, s2, s3):
    bufs = (r0, r1, r2, r3)
    idxs = (i0, i1, i2, i3)
    gsems = (g0, g1, g2, g3)
    osems = (o0, o1, o2, o3)
    isems = (s0, s1, s2, s3)
    wid = lax.axis_index("s") * _NC + lax.axis_index("c")
    cbase = wid * _C_PER_W
    pltpu.sync_copy(pos_hbm, pos_v)

    def idx_copy(c, q):
        return pltpu.make_async_copy(
            x_hbm.at[pl.ds((cbase + c) * _CHUNK, _CHUNK)], idxs[q], isems[q])

    def gather(c, q, p):
        return pltpu.make_async_copy(
            tok_hbm.at[idxs[q]], bufs[p], gsems[p])

    def out_copy(c, p):
        return pltpu.make_async_copy(bufs[p], out_hbm.at[cbase + c], osems[p])

    def add_pos(p):
        buf = bufs[p]

        @plsc.parallel_loop(0, INPUT_LENGTH, unroll=8)
        def _(r):
            for c in range(OUTPUT_DIM // 16):
                sl = pl.ds(c * 16, 16)
                v = pos_v[r, sl]
                plsc.addupdate(buf.at[r, sl], v)
                plsc.addupdate(buf.at[r + INPUT_LENGTH, sl], v)

    for cc in range(3):
        idx_copy(cc, cc).start()
    for cc in range(2):
        idx_copy(cc, cc).wait()
        gather(cc, cc, cc).start()

    def gbody(g, carry):
        for p in range(_NBUF):
            c = _NBUF * g + p
            gather(c, p, p).wait()
            add_pos(p)
            out_copy(c, p).start()
            pf = (p + 2) % _NBUF
            if p < 2:
                @pl.when(g > 0)
                def _():
                    out_copy(c - 2, pf).wait()
                idx_copy(c + 2, pf).wait()
                gather(c + 2, pf, pf).start()
                if p == 0:
                    idx_copy(c + 3, (p + 3) % _NBUF).start()
                else:
                    @pl.when(g < _C_PER_W // _NBUF - 1)
                    def _():
                        idx_copy(c + 3, (p + 3) % _NBUF).start()
            else:
                out_copy(c - 2, pf).wait()
                last = g >= _C_PER_W // _NBUF - 1

                @pl.when(jnp.logical_not(last))
                def _():
                    idx_copy(c + 2, pf).wait()
                    gather(c + 2, pf, pf).start()
                    idx_copy(c + 3, (p + 3) % _NBUF).start()
        return carry

    lax.fori_loop(0, _C_PER_W // _NBUF, gbody, 0)
    out_copy(_C_PER_W - 2, 2).wait()
    out_copy(_C_PER_W - 1, 3).wait()


@jax.jit
def _emb_call(x1, token_table, pos_table):
    mesh = plsc.VectorSubcoreMesh(core_axis_name="c", subcore_axis_name="s")
    run = pl.kernel(
        _emb_body,
        mesh=mesh,
        out_type=jax.ShapeDtypeStruct(
            (BATCH // _SEQ_PER_CHUNK, _CHUNK, OUTPUT_DIM), jnp.float32),
        scratch_types=[
            pltpu.VMEM((INPUT_LENGTH, OUTPUT_DIM), jnp.float32),
        ] + [pltpu.VMEM((_CHUNK,), jnp.int32)] * _NBUF
          + [pltpu.VMEM((_CHUNK, OUTPUT_DIM), jnp.float32)] * _NBUF
          + [pltpu.SemaphoreType.DMA] * (3 * _NBUF),
        compiler_params=pltpu.CompilerParams(use_tc_tiling_on_sc=False),
    )
    return run(x1, token_table, pos_table)


def kernel(x, token_table, pos_table):
    x1 = x.astype(jnp.int32).reshape(-1)
    out = _emb_call(x1, token_table, pos_table)
    return out.reshape(BATCH, INPUT_LENGTH, OUTPUT_DIM)

# --- scband reference (transcript-rebuilt; emitter-appended) ---
"""Pipeline reference for scband-token-and-position-embedding-29996051595729 (READ-ONLY COPY).

The authoritative reference and input builder live on the scoring server;
editing this copy changes nothing except your own understanding.
"""

import jax, jax.numpy as jnp
import numpy as np

INPUT_DIM = 100000
OUTPUT_DIM = 64
INPUT_LENGTH = 200
BATCH = 4096

def setup_inputs(seed: int = 0) -> dict:
    key = jax.random.key(seed)
    k1, k2, k3 = jax.random.split(key, 3)
    x = jax.random.randint(k1, (BATCH, INPUT_LENGTH), 0, INPUT_DIM, dtype=jnp.int64 if jax.config.jax_enable_x64 else jnp.int32)
    token_table = jax.random.normal(k2, (INPUT_DIM, OUTPUT_DIM), dtype=jnp.float32) * 0.05
    pos_table = jax.random.normal(k3, (INPUT_LENGTH, OUTPUT_DIM), dtype=jnp.float32) * 0.05
    return {"x": x, "token_table": token_table, "pos_table": pos_table}

def reference(x, token_table, pos_table):
    # maxlen = x.shape[-1]; positions = range(maxlen)
    maxlen = x.shape[-1]
    positions = jnp.arange(maxlen)
    pos_emb = jnp.take(pos_table, positions, axis=0)          # [L, D]
    tok_emb = jnp.take(token_table, x, axis=0)                 # [B, L, D]
    return tok_emb + pos_emb[None, :, :]

if __name__ == "__main__":
    import jax
    _d = setup_inputs()
    print(jax.jit(kernel)(*tuple(_d.values())))

</pallas_src>

<mosaic_0001>
#map = affine_map<(d0, d1) -> (0)>
#map1 = affine_map<(d0, d1) -> (0, 0)>
#map2 = affine_map<(d0, d1) -> (0, 0, 0)>
module attributes {stable_mosaic.version = 14 : i64} {
  func.func @_emb_body(%arg0: i32, %arg1: i32, %arg2: memref<819200xi32, #tpu.memory_space<hbm>>, %arg3: memref<100000x64xf32, #tpu.memory_space<hbm>>, %arg4: memref<200x64xf32, #tpu.memory_space<hbm>>, %arg5: memref<2048x400x64xf32, #tpu.memory_space<hbm>>, %arg6: memref<200x64xf32, #tpu.memory_space<vmem>>, %arg7: memref<400xi32, #tpu.memory_space<vmem>>, %arg8: memref<400xi32, #tpu.memory_space<vmem>>, %arg9: memref<400xi32, #tpu.memory_space<vmem>>, %arg10: memref<400xi32, #tpu.memory_space<vmem>>, %arg11: memref<400x64xf32, #tpu.memory_space<vmem>>, %arg12: memref<400x64xf32, #tpu.memory_space<vmem>>, %arg13: memref<400x64xf32, #tpu.memory_space<vmem>>, %arg14: memref<400x64xf32, #tpu.memory_space<vmem>>, %arg15: memref<!tpu.dma_semaphore, #tpu.memory_space<semaphore_mem>>, %arg16: memref<!tpu.dma_semaphore, #tpu.memory_space<semaphore_mem>>, %arg17: memref<!tpu.dma_semaphore, #tpu.memory_space<semaphore_mem>>, %arg18: memref<!tpu.dma_semaphore, #tpu.memory_space<semaphore_mem>>, %arg19: memref<!tpu.dma_semaphore, #tpu.memory_space<semaphore_mem>>, %arg20: memref<!tpu.dma_semaphore, #tpu.memory_space<semaphore_mem>>, %arg21: memref<!tpu.dma_semaphore, #tpu.memory_space<semaphore_mem>>, %arg22: memref<!tpu.dma_semaphore, #tpu.memory_space<semaphore_mem>>, %arg23: memref<!tpu.dma_semaphore, #tpu.memory_space<semaphore_mem>>, %arg24: memref<!tpu.dma_semaphore, #tpu.memory_space<semaphore_mem>>, %arg25: memref<!tpu.dma_semaphore, #tpu.memory_space<semaphore_mem>>, %arg26: memref<!tpu.dma_semaphore, #tpu.memory_space<semaphore_mem>>) attributes {dimension_semantics = [#tpu.dimension_semantics<core_parallel>, #tpu.dimension_semantics<subcore_parallel>], iteration_bounds = array<i64: 2, 16>, scalar_prefetch = 0 : i64, scratch_operands = 21 : i64, tpu.core_type = #tpu.core_type<sc_vector_subcore>, window_params = [{transform_indices = #map}, {transform_indices = #map1}, {transform_indices = #map1}, {transform_indices = #map2}]} {
    %mul3A = arith.constant 2 : i32
    %mul3A_0 = arith.muli %arg1, %mul3A : i32
    %add3A = arith.addi %mul3A_0, %arg0 : i32
    %mul3A_1 = arith.constant 64 : i32
    %mul3A_2 = arith.muli %add3A, %mul3A_1 : i32
    "tpu.region"() ({
      %run_scoped3A = tpu.sem_alloc : memref<!tpu.dma_semaphore, #tpu.memory_space<semaphore_mem>>
      tpu.enqueue_dma source(%arg4 : memref<200x64xf32, #tpu.memory_space<hbm>>) target(%arg6 : memref<200x64xf32, #tpu.memory_space<vmem>>) target_semaphore(%run_scoped3A : memref<!tpu.dma_semaphore, #tpu.memory_space<semaphore_mem>>)
      tpu.wait_dma2 semaphore(%run_scoped3A : memref<!tpu.dma_semaphore, #tpu.memory_space<semaphore_mem>>) src(%arg4 : memref<200x64xf32, #tpu.memory_space<hbm>>) dst(%arg6 : memref<200x64xf32, #tpu.memory_space<vmem>>)
      tpu.yield
    }) : () -> ()
    %add3A_3 = arith.constant 0 : i32
    %add3A_4 = arith.addi %mul3A_2, %add3A_3 : i32
    %mul3A_5 = arith.constant 400 : i32
    %mul3A_6 = arith.muli %add3A_4, %mul3A_5 : i32
    %dma_start3A = tpu.memref_slice %arg2[%mul3A_6] : memref<819200xi32, #tpu.memory_space<hbm>> -> memref<400xi32, #tpu.memory_space<hbm>>
    %dma_start3A_7 = tpu.memref_slice %arg2[%mul3A_6] : memref<819200xi32, #tpu.memory_space<hbm>> -> memref<400xi32, #tpu.memory_space<hbm>>
    tpu.enqueue_dma source(%dma_start3A_7 : memref<400xi32, #tpu.memory_space<hbm>>) target(%arg7 : memref<400xi32, #tpu.memory_space<vmem>>) target_semaphore(%arg23 : memref<!tpu.dma_semaphore, #tpu.memory_space<semaphore_mem>>)
    %add3A_8 = arith.constant 1 : i32
    %add3A_9 = arith.addi %mul3A_2, %add3A_8 : i32
    %mul3A_10 = arith.constant 400 : i32
    %mul3A_11 = arith.muli %add3A_9, %mul3A_10 : i32
    %dma_start3A_12 = tpu.memref_slice %arg2[%mul3A_11] : memref<819200xi32, #tpu.memory_space<hbm>> -> memref<400xi32, #tpu.memory_space<hbm>>
    %dma_start3A_13 = tpu.memref_slice %arg2[%mul3A_11] : memref<819200xi32, #tpu.memory_space<hbm>> -> memref<400xi32, #tpu.memory_space<hbm>>
    tpu.enqueue_dma source(%dma_start3A_13 : memref<400xi32, #tpu.memory_space<hbm>>) target(%arg8 : memref<400xi32, #tpu.memory_space<vmem>>) target_semaphore(%arg24 : memref<!tpu.dma_semaphore, #tpu.memory_space<semaphore_mem>>)
    %add3A_14 = arith.constant 2 : i32
    %add3A_15 = arith.addi %mul3A_2, %add3A_14 : i32
    %mul3A_16 = arith.constant 400 : i32
    %mul3A_17 = arith.muli %add3A_15, %mul3A_16 : i32
    %dma_start3A_18 = tpu.memref_slice %arg2[%mul3A_17] : memref<819200xi32, #tpu.memory_space<hbm>> -> memref<400xi32, #tpu.memory_space<hbm>>
    %dma_start3A_19 = tpu.memref_slice %arg2[%mul3A_17] : memref<819200xi32, #tpu.memory_space<hbm>> -> memref<400xi32, #tpu.memory_space<hbm>>
    tpu.enqueue_dma source(%dma_start3A_19 : memref<400xi32, #tpu.memory_space<hbm>>) target(%arg9 : memref<400xi32, #tpu.memory_space<vmem>>) target_semaphore(%arg25 : memref<!tpu.dma_semaphore, #tpu.memory_space<semaphore_mem>>)
    %add3A_20 = arith.constant 0 : i32
    %add3A_21 = arith.addi %mul3A_2, %add3A_20 : i32
    %mul3A_22 = arith.constant 400 : i32
    %mul3A_23 = arith.muli %add3A_21, %mul3A_22 : i32
    %dma_wait3A = tpu.memref_slice %arg2[%mul3A_23] : memref<819200xi32, #tpu.memory_space<hbm>> -> memref<400xi32, #tpu.memory_space<hbm>>
    %dma_wait3A_24 = tpu.memref_slice %arg2[%mul3A_23] : memref<819200xi32, #tpu.memory_space<hbm>> -> memref<400xi32, #tpu.memory_space<hbm>>
    tpu.wait_dma2 semaphore(%arg23 : memref<!tpu.dma_semaphore, #tpu.memory_space<semaphore_mem>>) src(%dma_wait3A_24 : memref<400xi32, #tpu.memory_space<hbm>>) dst(%arg7 : memref<400xi32, #tpu.memory_space<vmem>>)
    %dma_start3A_25 = arith.constant 0 : i32
    %dma_start3A_26 = arith.constant 0 : i32
    %dma_start3A_27 = tpu.memref_slice %arg3[%dma_start3A_25, %dma_start3A_26] : memref<100000x64xf32, #tpu.memory_space<hbm>> -> memref<100000x64xf32, #tpu.memory_space<hbm>>
    tpu.enqueue_indirect_dma source(%dma_start3A_27 : memref<100000x64xf32, #tpu.memory_space<hbm>>) target(%arg11 : memref<400x64xf32, #tpu.memory_space<vmem>>) offsets(%arg7 : memref<400xi32, #tpu.memory_space<vmem>>) semaphore(%arg15 : memref<!tpu.dma_semaphore, #tpu.memory_space<semaphore_mem>>)
    %add3A_28 = arith.constant 1 : i32
    %add3A_29 = arith.addi %mul3A_2, %add3A_28 : i32
    %mul3A_30 = arith.constant 400 : i32
    %mul3A_31 = arith.muli %add3A_29, %mul3A_30 : i32
    %dma_wait3A_32 = tpu.memref_slice %arg2[%mul3A_31] : memref<819200xi32, #tpu.memory_space<hbm>> -> memref<400xi32, #tpu.memory_space<hbm>>
    %dma_wait3A_33 = tpu.memref_slice %arg2[%mul3A_31] : memref<819200xi32, #tpu.memory_space<hbm>> -> memref<400xi32, #tpu.memory_space<hbm>>
    tpu.wait_dma2 semaphore(%arg24 : memref<!tpu.dma_semaphore, #tpu.memory_space<semaphore_mem>>) src(%dma_wait3A_33 : memref<400xi32, #tpu.memory_space<hbm>>) dst(%arg8 : memref<400xi32, #tpu.memory_space<vmem>>)
    %dma_start3A_34 = arith.constant 0 : i32
    %dma_start3A_35 = arith.constant 0 : i32
    %dma_start3A_36 = tpu.memref_slice %arg3[%dma_start3A_34, %dma_start3A_35] : memref<100000x64xf32, #tpu.memory_space<hbm>> -> memref<100000x64xf32, #tpu.memory_space<hbm>>
    tpu.enqueue_indirect_dma source(%dma_start3A_36 : memref<100000x64xf32, #tpu.memory_space<hbm>>) target(%arg12 : memref<400x64xf32, #tpu.memory_space<vmem>>) offsets(%arg8 : memref<400xi32, #tpu.memory_space<vmem>>) semaphore(%arg16 : memref<!tpu.dma_semaphore, #tpu.memory_space<semaphore_mem>>)
    %scan3A = arith.constant 0 : i32
    %scan3A_37 = arith.constant 0 : i32
    %scan3A_38 = arith.constant 16 : i32
    %scan3A_39 = arith.addi %scan3A_37, %scan3A_38 : i32
    %scan3A_40 = arith.constant 1 : i32
    scf.for %scan3A_62 = %scan3A_37 to %scan3A_39 step %scan3A_40  : i32 {
      %mul3A_63 = arith.constant 4 : i32
      %mul3A_64 = arith.muli %mul3A_63, %scan3A_62 : i32
      %add3A_65 = arith.constant 0 : i32
      %add3A_66 = arith.addi %mul3A_64, %add3A_65 : i32
      %dma_wait3A_67 = arith.constant 0 : i32
      %dma_wait3A_68 = arith.constant 0 : i32
      %dma_wait3A_69 = tpu.memref_slice %arg3[%dma_wait3A_67, %dma_wait3A_68] : memref<100000x64xf32, #tpu.memory_space<hbm>> -> memref<100000x64xf32, #tpu.memory_space<hbm>>
      tpu.wait_indirect_dma semaphore(%arg15 : memref<!tpu.dma_semaphore, #tpu.memory_space<semaphore_mem>>) src(%dma_wait3A_69 : memref<100000x64xf32, #tpu.memory_space<hbm>>) dst(%arg11 : memref<400x64xf32, #tpu.memory_space<vmem>>)
      %parallel_loop3A = arith.constant 0 : i32
      %parallel_loop3A_70 = arith.constant 200 : i32
      %parallel_loop3A_71 = arith.constant 1 : i32
      scf.for %parallel_loop3A_213 = %parallel_loop3A to %parallel_loop3A_70 step %parallel_loop3A_71  : i32 {
        %parallel_loop3A_214 = arith.index_cast %parallel_loop3A_213 : i32 to index
        %parallel_loop3A_215 = arith.constant 0 : index
        %parallel_loop3A_216 = tpu.vector_load %arg6[%parallel_loop3A_214, %parallel_loop3A_215] {strides = array<i32>} : memref<200x64xf32, #tpu.memory_space<vmem>>, vector<1x16xf32>,
        %parallel_loop3A_217 = vector.shape_cast %parallel_loop3A_216 : vector<1x16xf32> to vector<16xf32>
        %parallel_loop3A_218 = arith.index_cast %parallel_loop3A_213 : i32 to index
        %parallel_loop3A_219 = arith.constant 0 : index
        %parallel_loop3A_220 = tpu.vector_load %arg11[%parallel_loop3A_218, %parallel_loop3A_219] {strides = array<i32>} : memref<400x64xf32, #tpu.memory_space<vmem>>, vector<1x16xf32>,
        %parallel_loop3A_221 = vector.shape_cast %parallel_loop3A_220 : vector<1x16xf32> to vector<16xf32>
        %parallel_loop3A_222 = vector.shape_cast %parallel_loop3A_217 : vector<16xf32> to vector<1x16xf32>
        tpu.vector_store %arg11[%parallel_loop3A_218, %parallel_loop3A_219], %parallel_loop3A_222 {add = true, strides = array<i32>} : memref<400x64xf32, #tpu.memory_space<vmem>>, vector<1x16xf32>,
        %parallel_loop3A_223 = arith.constant 200 : i32
        %parallel_loop3A_224 = arith.addi %parallel_loop3A_213, %parallel_loop3A_223 : i32
        %parallel_loop3A_225 = arith.index_cast %parallel_loop3A_224 : i32 to index
        %parallel_loop3A_226 = arith.constant 0 : index
        %parallel_loop3A_227 = tpu.vector_load %arg11[%parallel_loop3A_225, %parallel_loop3A_226] {strides = array<i32>} : memref<400x64xf32, #tpu.memory_space<vmem>>, vector<1x16xf32>,
        %parallel_loop3A_228 = vector.shape_cast %parallel_loop3A_227 : vector<1x16xf32> to vector<16xf32>
        %parallel_loop3A_229 = vector.shape_cast %parallel_loop3A_217 : vector<16xf32> to vector<1x16xf32>
        tpu.vector_store %arg11[%parallel_loop3A_225, %parallel_loop3A_226], %parallel_loop3A_229 {add = true, strides = array<i32>} : memref<400x64xf32, #tpu.memory_space<vmem>>, vector<1x16xf32>,
        %parallel_loop3A_230 = arith.index_cast %parallel_loop3A_213 : i32 to index
        %parallel_loop3A_231 = arith.constant 16 : index
        %parallel_loop3A_232 = tpu.vector_load %arg6[%parallel_loop3A_230, %parallel_loop3A_231] {strides = array<i32>} : memref<200x64xf32, #tpu.memory_space<vmem>>, vector<1x16xf32>,
        %parallel_loop3A_233 = vector.shape_cast %parallel_loop3A_232 : vector<1x16xf32> to vector<16xf32>
        %parallel_loop3A_234 = arith.index_cast %parallel_loop3A_213 : i32 to index
        %parallel_loop3A_235 = arith.constant 16 : index
        %parallel_loop3A_236 = tpu.vector_load %arg11[%parallel_loop3A_234, %parallel_loop3A_235] {strides = array<i32>} : memref<400x64xf32, #tpu.memory_space<vmem>>, vector<1x16xf32>,
        %parallel_loop3A_237 = vector.shape_cast %parallel_loop3A_236 : vector<1x16xf32> to vector<16xf32>
        %parallel_loop3A_238 = vector.shape_cast %parallel_loop3A_233 : vector<16xf32> to vector<1x16xf32>
        tpu.vector_store %arg11[%parallel_loop3A_234, %parallel_loop3A_235], %parallel_loop3A_238 {add = true, strides = array<i32>} : memref<400x64xf32, #tpu.memory_space<vmem>>, vector<1x16xf32>,
        %parallel_loop3A_239 = arith.constant 200 : i32
        %parallel_loop3A_240 = arith.addi %parallel_loop3A_213, %parallel_loop3A_239 : i32
        %parallel_loop3A_241 = arith.index_cast %parallel_loop3A_240 : i32 to index
        %parallel_loop3A_242 = arith.constant 16 : index
        %parallel_loop3A_243 = tpu.vector_load %arg11[%parallel_loop3A_241, %parallel_loop3A_242] {strides = array<i32>} : memref<400x64xf32, #tpu.memory_space<vmem>>, vector<1x16xf32>,
        %parallel_loop3A_244 = vector.shape_cast %parallel_loop3A_243 : vector<1x16xf32> to vector<16xf32>
        %parallel_loop3A_245 = vector.shape_cast %parallel_loop3A_233 : vector<16xf32> to vector<1x16xf32>
        tpu.vector_store %arg11[%parallel_loop3A_241, %parallel_loop3A_242], %parallel_loop3A_245 {add = true, strides = array<i32>} : memref<400x64xf32, #tpu.memory_space<vmem>>, vector<1x16xf32>,
        %parallel_loop3A_246 = arith.index_cast %parallel_loop3A_213 : i32 to index
        %parallel_loop3A_247 = arith.constant 32 : index
        %parallel_loop3A_248 = tpu.vector_load %arg6[%parallel_loop3A_246, %parallel_loop3A_247] {strides = array<i32>} : memref<200x64xf32, #tpu.memory_space<vmem>>, vector<1x16xf32>,
        %parallel_loop3A_249 = vector.shape_cast %parallel_loop3A_248 : vector<1x16xf32> to vector<16xf32>
        %parallel_loop3A_250 = arith.index_cast %parallel_loop3A_213 : i32 to index
        %parallel_loop3A_251 = arith.constant 32 : index
        %parallel_loop3A_252 = tpu.vector_load %arg11[%parallel_loop3A_250, %parallel_loop3A_251] {strides = array<i32>} : memref<400x64xf32, #tpu.memory_space<vmem>>, vector<1x16xf32>,
        %parallel_loop3A_253 = vector.shape_cast %parallel_loop3A_252 : vector<1x16xf32> to vector<16xf32>
        %parallel_loop3A_254 = vector.shape_cast %parallel_loop3A_249 : vector<16xf32> to vector<1x16xf32>
        tpu.vector_store %arg11[%parallel_loop3A_250, %parallel_loop3A_251], %parallel_loop3A_254 {add = true, strides = array<i32>} : memref<400x64xf32, #tpu.memory_space<vmem>>, vector<1x16xf32>,
        %parallel_loop3A_255 = arith.constant 200 : i32
        %parallel_loop3A_256 = arith.addi %parallel_loop3A_213, %parallel_loop3A_255 : i32
        %parallel_loop3A_257 = arith.index_cast %parallel_loop3A_256 : i32 to index
        %parallel_loop3A_258 = arith.constant 32 : index
        %parallel_loop3A_259 = tpu.vector_load %arg11[%parallel_loop3A_257, %parallel_loop3A_258] {strides = array<i32>} : memref<400x64xf32, #tpu.memory_space<vmem>>, vector<1x16xf32>,
        %parallel_loop3A_260 = vector.shape_cast %parallel_loop3A_259 : vector<1x16xf32> to vector<16xf32>
        %parallel_loop3A_261 = vector.shape_cast %parallel_loop3A_249 : vector<16xf32> to vector<1x16xf32>
        tpu.vector_store %arg11[%parallel_loop3A_257, %parallel_loop3A_258], %parallel_loop3A_261 {add = true, strides = array<i32>} : memref<400x64xf32, #tpu.memory_space<vmem>>, vector<1x16xf32>,
        %parallel_loop3A_262 = arith.index_cast %parallel_loop3A_213 : i32 to index
        %parallel_loop3A_263 = arith.constant 48 : index
        %parallel_loop3A_264 = tpu.vector_load %arg6[%parallel_loop3A_262, %parallel_loop3A_263] {strides = array<i32>} : memref<200x64xf32, #tpu.memory_space<vmem>>, vector<1x16xf32>,
        %parallel_loop3A_265 = vector.shape_cast %parallel_loop3A_264 : vector<1x16xf32> to vector<16xf32>
        %parallel_loop3A_266 = arith.index_cast %parallel_loop3A_213 : i32 to index
        %parallel_loop3A_267 = arith.constant 48 : index
        %parallel_loop3A_268 = tpu.vector_load %arg11[%parallel_loop3A_266, %parallel_loop3A_267] {strides = array<i32>} : memref<400x64xf32, #tpu.memory_space<vmem>>, vector<1x16xf32>,
        %parallel_loop3A_269 = vector.shape_cast %parallel_loop3A_268 : vector<1x16xf32> to vector<16xf32>
        %parallel_loop3A_270 = vector.shape_cast %parallel_loop3A_265 : vector<16xf32> to vector<1x16xf32>
        tpu.vector_store %arg11[%parallel_loop3A_266, %parallel_loop3A_267], %parallel_loop3A_270 {add = true, strides = array<i32>} : memref<400x64xf32, #tpu.memory_space<vmem>>, vector<1x16xf32>,
        %parallel_loop3A_271 = arith.constant 200 : i32
        %parallel_loop3A_272 = arith.addi %parallel_loop3A_213, %parallel_loop3A_271 : i32
        %parallel_loop3A_273 = arith.index_cast %parallel_loop3A_272 : i32 to index
        %parallel_loop3A_274 = arith.constant 48 : index
        %parallel_loop3A_275 = tpu.vector_load %arg11[%parallel_loop3A_273, %parallel_loop3A_274] {strides = array<i32>} : memref<400x64xf32, #tpu.memory_space<vmem>>, vector<1x16xf32>,
        %parallel_loop3A_276 = vector.shape_cast %parallel_loop3A_275 : vector<1x16xf32> to vector<16xf32>
        %parallel_loop3A_277 = vector.shape_cast %parallel_loop3A_265 : vector<16xf32> to vector<1x16xf32>
        tpu.vector_store %arg11[%parallel_loop3A_273, %parallel_loop3A_274], %parallel_loop3A_277 {add = true, strides = array<i32>} : memref<400x64xf32, #tpu.memory_space<vmem>>, vector<1x16xf32>,
      } {sc.loop_unroll_factor = 8 : i64, sc.parallel_access}
      %add3A_72 = arith.addi %mul3A_2, %add3A_66 : i32
      %dma_start3A_73 = arith.constant 0 : i32
      %dma_start3A_74 = arith.constant 0 : i32
      %dma_start3A_75 = tpu.memref_slice %arg5[%add3A_72, %dma_start3A_73, %dma_start3A_74] : memref<2048x400x64xf32, #tpu.memory_space<hbm>> -> memref<1x400x64xf32, #tpu.memory_space<hbm>>
      %dma_start3A_76 = tpu.memref_squeeze %dma_start3A_75 : memref<1x400x64xf32, #tpu.memory_space<hbm>> -> memref<400x64xf32, #tpu.memory_space<hbm>>
      %dma_start3A_77 = arith.constant 0 : i32
      %dma_start3A_78 = arith.constant 0 : i32
      %dma_start3A_79 = tpu.memref_slice %arg5[%add3A_72, %dma_start3A_77, %dma_start3A_78] : memref<2048x400x64xf32, #tpu.memory_space<hbm>> -> memref<1x400x64xf32, #tpu.memory_space<hbm>>
      %dma_start3A_80 = tpu.memref_squeeze %dma_start3A_79 : memref<1x400x64xf32, #tpu.memory_space<hbm>> -> memref<400x64xf32, #tpu.memory_space<hbm>>
      tpu.enqueue_dma source(%arg11 : memref<400x64xf32, #tpu.memory_space<vmem>>) target(%dma_start3A_80 : memref<400x64xf32, #tpu.memory_space<hbm>>) target_semaphore(%arg19 : memref<!tpu.dma_semaphore, #tpu.memory_space<semaphore_mem>>)
      %gt3A = arith.constant 0 : i32
      %gt3A_81 = arith.cmpi sgt, %scan3A_62, %gt3A : i32
      %convert_element_type3A = arith.extui %gt3A_81 : i1 to i32
      %cond3A = arith.constant 0 : i32
      %cond3A_82 = arith.cmpi ne, %convert_element_type3A, %cond3A : i32
      scf.if %cond3A_82 {
        %sub3A_213 = arith.constant 2 : i32
        %sub3A_214 = arith.subi %add3A_66, %sub3A_213 : i32
        %add3A_215 = arith.addi %mul3A_2, %sub3A_214 : i32
        %dma_wait3A_216 = arith.constant 0 : i32
        %dma_wait3A_217 = arith.constant 0 : i32
        %dma_wait3A_218 = tpu.memref_slice %arg5[%add3A_215, %dma_wait3A_216, %dma_wait3A_217] : memref<2048x400x64xf32, #tpu.memory_space<hbm>> -> memref<1x400x64xf32, #tpu.memory_space<hbm>>
        %dma_wait3A_219 = tpu.memref_squeeze %dma_wait3A_218 : memref<1x400x64xf32, #tpu.memory_space<hbm>> -> memref<400x64xf32, #tpu.memory_space<hbm>>
        %dma_wait3A_220 = arith.constant 0 : i32
        %dma_wait3A_221 = arith.constant 0 : i32
        %dma_wait3A_222 = tpu.memref_slice %arg5[%add3A_215, %dma_wait3A_220, %dma_wait3A_221] : memref<2048x400x64xf32, #tpu.memory_space<hbm>> -> memref<1x400x64xf32, #tpu.memory_space<hbm>>
        %dma_wait3A_223 = tpu.memref_squeeze %dma_wait3A_222 : memref<1x400x64xf32, #tpu.memory_space<hbm>> -> memref<400x64xf32, #tpu.memory_space<hbm>>
        tpu.wait_dma2 semaphore(%arg21 : memref<!tpu.dma_semaphore, #tpu.memory_space<semaphore_mem>>) src(%arg13 : memref<400x64xf32, #tpu.memory_space<vmem>>) dst(%dma_wait3A_223 : memref<400x64xf32, #tpu.memory_space<hbm>>)
      } else {
      }
      %add3A_83 = arith.constant 2 : i32
      %add3A_84 = arith.addi %add3A_66, %add3A_83 : i32
      %add3A_85 = arith.addi %mul3A_2, %add3A_84 : i32
      %mul3A_86 = arith.constant 400 : i32
      %mul3A_87 = arith.muli %add3A_85, %mul3A_86 : i32
      %dma_wait3A_88 = tpu.memref_slice %arg2[%mul3A_87] : memref<819200xi32, #tpu.memory_space<hbm>> -> memref<400xi32, #tpu.memory_space<hbm>>
      %dma_wait3A_89 = tpu.memref_slice %arg2[%mul3A_87] : memref<819200xi32, #tpu.memory_space<hbm>> -> memref<400xi32, #tpu.memory_space<hbm>>
      tpu.wait_dma2 semaphore(%arg25 : memref<!tpu.dma_semaphore, #tpu.memory_space<semaphore_mem>>) src(%dma_wait3A_89 : memref<400xi32, #tpu.memory_space<hbm>>) dst(%arg9 : memref<400xi32, #tpu.memory_space<vmem>>)
      %add3A_90 = arith.constant 2 : i32
      %add3A_91 = arith.addi %add3A_66, %add3A_90 : i32
      %dma_start3A_92 = arith.constant 0 : i32
      %dma_start3A_93 = arith.constant 0 : i32
      %dma_start3A_94 = tpu.memref_slice %arg3[%dma_start3A_92, %dma_start3A_93] : memref<100000x64xf32, #tpu.memory_space<hbm>> -> memref<100000x64xf32, #tpu.memory_space<hbm>>
      tpu.enqueue_indirect_dma source(%dma_start3A_94 : memref<100000x64xf32, #tpu.memory_space<hbm>>) target(%arg13 : memref<400x64xf32, #tpu.memory_space<vmem>>) offsets(%arg9 : memref<400xi32, #tpu.memory_space<vmem>>) semaphore(%arg17 : memref<!tpu.dma_semaphore, #tpu.memory_space<semaphore_mem>>)
      %add3A_95 = arith.constant 3 : i32
      %add3A_96 = arith.addi %add3A_66, %add3A_95 : i32
      %add3A_97 = arith.addi %mul3A_2, %add3A_96 : i32
      %mul3A_98 = arith.constant 400 : i32
      %mul3A_99 = arith.muli %add3A_97, %mul3A_98 : i32
      %dma_start3A_100 = tpu.memref_slice %arg2[%mul3A_99] : memref<819200xi32, #tpu.memory_space<hbm>> -> memref<400xi32, #tpu.memory_space<hbm>>
      %dma_start3A_101 = tpu.memref_slice %arg2[%mul3A_99] : memref<819200xi32, #tpu.memory_space<hbm>> -> memref<400xi32, #tpu.memory_space<hbm>>
      tpu.enqueue_dma source(%dma_start3A_101 : memref<400xi32, #tpu.memory_space<hbm>>) target(%arg10 : memref<400xi32, #tpu.memory_space<vmem>>) target_semaphore(%arg26 : memref<!tpu.dma_semaphore, #tpu.memory_space<semaphore_mem>>)
      %mul3A_102 = arith.constant 4 : i32
      %mul3A_103 = arith.muli %mul3A_102, %scan3A_62 : i32
      %add3A_104 = arith.constant 1 : i32
      %add3A_105 = arith.addi %mul3A_103, %add3A_104 : i32
      %dma_wait3A_106 = arith.constant 0 : i32
      %dma_wait3A_107 = arith.constant 0 : i32
      %dma_wait3A_108 = tpu.memref_slice %arg3[%dma_wait3A_106, %dma_wait3A_107] : memref<100000x64xf32, #tpu.memory_space<hbm>> -> memref<100000x64xf32, #tpu.memory_space<hbm>>
      tpu.wait_indirect_dma semaphore(%arg16 : memref<!tpu.dma_semaphore, #tpu.memory_space<semaphore_mem>>) src(%dma_wait3A_108 : memref<100000x64xf32, #tpu.memory_space<hbm>>) dst(%arg12 : memref<400x64xf32, #tpu.memory_space<vmem>>)
      %parallel_loop3A_109 = arith.constant 0 : i32
      %parallel_loop3A_110 = arith.constant 200 : i32
      %parallel_loop3A_111 = arith.constant 1 : i32
      scf.for %parallel_loop3A_213 = %parallel_loop3A_109 to %parallel_loop3A_110 step %parallel_loop3A_111  : i32 {
        %parallel_loop3A_214 = arith.index_cast %parallel_loop3A_213 : i32 to index
        %parallel_loop3A_215 = arith.constant 0 : index
        %parallel_loop3A_216 = tpu.vector_load %arg6[%parallel_loop3A_214, %parallel_loop3A_215] {strides = array<i32>} : memref<200x64xf32, #tpu.memory_space<vmem>>, vector<1x16xf32>,
        %parallel_loop3A_217 = vector.shape_cast %parallel_loop3A_216 : vector<1x16xf32> to vector<16xf32>
        %parallel_loop3A_218 = arith.index_cast %parallel_loop3A_213 : i32 to index
        %parallel_loop3A_219 = arith.constant 0 : index
        %parallel_loop3A_220 = tpu.vector_load %arg12[%parallel_loop3A_218, %parallel_loop3A_219] {strides = array<i32>} : memref<400x64xf32, #tpu.memory_space<vmem>>, vector<1x16xf32>,
        %parallel_loop3A_221 = vector.shape_cast %parallel_loop3A_220 : vector<1x16xf32> to vector<16xf32>
        %parallel_loop3A_222 = vector.shape_cast %parallel_loop3A_217 : vector<16xf32> to vector<1x16xf32>
        tpu.vector_store %arg12[%parallel_loop3A_218, %parallel_loop3A_219], %parallel_loop3A_222 {add = true, strides = array<i32>} : memref<400x64xf32, #tpu.memory_space<vmem>>, vector<1x16xf32>,
        %parallel_loop3A_223 = arith.constant 200 : i32
        %parallel_loop3A_224 = arith.addi %parallel_loop3A_213, %parallel_loop3A_223 : i32
        %parallel_loop3A_225 = arith.index_cast %parallel_loop3A_224 : i32 to index
        %parallel_loop3A_226 = arith.constant 0 : index
        %parallel_loop3A_227 = tpu.vector_load %arg12[%parallel_loop3A_225, %parallel_loop3A_226] {strides = array<i32>} : memref<400x64xf32, #tpu.memory_space<vmem>>, vector<1x16xf32>,
        %parallel_loop3A_228 = vector.shape_cast %parallel_loop3A_227 : vector<1x16xf32> to vector<16xf32>
        %parallel_loop3A_229 = vector.shape_cast %parallel_loop3A_217 : vector<16xf32> to vector<1x16xf32>
        tpu.vector_store %arg12[%parallel_loop3A_225, %parallel_loop3A_226], %parallel_loop3A_229 {add = true, strides = array<i32>} : memref<400x64xf32, #tpu.memory_space<vmem>>, vector<1x16xf32>,
        %parallel_loop3A_230 = arith.index_cast %parallel_loop3A_213 : i32 to index
        %parallel_loop3A_231 = arith.constant 16 : index
        %parallel_loop3A_232 = tpu.vector_load %arg6[%parallel_loop3A_230, %parallel_loop3A_231] {strides = array<i32>} : memref<200x64xf32, #tpu.memory_space<vmem>>, vector<1x16xf32>,
        %parallel_loop3A_233 = vector.shape_cast %parallel_loop3A_232 : vector<1x16xf32> to vector<16xf32>
        %parallel_loop3A_234 = arith.index_cast %parallel_loop3A_213 : i32 to index
        %parallel_loop3A_235 = arith.constant 16 : index
        %parallel_loop3A_236 = tpu.vector_load %arg12[%parallel_loop3A_234, %parallel_loop3A_235] {strides = array<i32>} : memref<400x64xf32, #tpu.memory_space<vmem>>, vector<1x16xf32>,
        %parallel_loop3A_237 = vector.shape_cast %parallel_loop3A_236 : vector<1x16xf32> to vector<16xf32>
        %parallel_loop3A_238 = vector.shape_cast %parallel_loop3A_233 : vector<16xf32> to vector<1x16xf32>
        tpu.vector_store %arg12[%parallel_loop3A_234, %parallel_loop3A_235], %parallel_loop3A_238 {add = true, strides = array<i32>} : memref<400x64xf32, #tpu.memory_space<vmem>>, vector<1x16xf32>,
        %parallel_loop3A_239 = arith.constant 200 : i32
        %parallel_loop3A_240 = arith.addi %parallel_loop3A_213, %parallel_loop3A_239 : i32
        %parallel_loop3A_241 = arith.index_cast %parallel_loop3A_240 : i32 to index
        %parallel_loop3A_242 = arith.constant 16 : index
        %parallel_loop3A_243 = tpu.vector_load %arg12[%parallel_loop3A_241, %parallel_loop3A_242] {strides = array<i32>} : memref<400x64xf32, #tpu.memory_space<vmem>>, vector<1x16xf32>,
        %parallel_loop3A_244 = vector.shape_cast %parallel_loop3A_243 : vector<1x16xf32> to vector<16xf32>
        %parallel_loop3A_245 = vector.shape_cast %parallel_loop3A_233 : vector<16xf32> to vector<1x16xf32>
        tpu.vector_store %arg12[%parallel_loop3A_241, %parallel_loop3A_242], %parallel_loop3A_245 {add = true, strides = array<i32>} : memref<400x64xf32, #tpu.memory_space<vmem>>, vector<1x16xf32>,
        %parallel_loop3A_246 = arith.index_cast %parallel_loop3A_213 : i32 to index
        %parallel_loop3A_247 = arith.constant 32 : index
        %parallel_loop3A_248 = tpu.vector_load %arg6[%parallel_loop3A_246, %parallel_loop3A_247] {strides = array<i32>} : memref<200x64xf32, #tpu.memory_space<vmem>>, vector<1x16xf32>,
        %parallel_loop3A_249 = vector.shape_cast %parallel_loop3A_248 : vector<1x16xf32> to vector<16xf32>
        %parallel_loop3A_250 = arith.index_cast %parallel_loop3A_213 : i32 to index
        %parallel_loop3A_251 = arith.constant 32 : index
        %parallel_loop3A_252 = tpu.vector_load %arg12[%parallel_loop3A_250, %parallel_loop3A_251] {strides = array<i32>} : memref<400x64xf32, #tpu.memory_space<vmem>>, vector<1x16xf32>,
        %parallel_loop3A_253 = vector.shape_cast %parallel_loop3A_252 : vector<1x16xf32> to vector<16xf32>
        %parallel_loop3A_254 = vector.shape_cast %parallel_loop3A_249 : vector<16xf32> to vector<1x16xf32>
        tpu.vector_store %arg12[%parallel_loop3A_250, %parallel_loop3A_251], %parallel_loop3A_254 {add = true, strides = array<i32>} : memref<400x64xf32, #tpu.memory_space<vmem>>, vector<1x16xf32>,
        %parallel_loop3A_255 = arith.constant 200 : i32
        %parallel_loop3A_256 = arith.addi %parallel_loop3A_213, %parallel_loop3A_255 : i32
        %parallel_loop3A_257 = arith.index_cast %parallel_loop3A_256 : i32 to index
        %parallel_loop3A_258 = arith.constant 32 : index
        %parallel_loop3A_259 = tpu.vector_load %arg12[%parallel_loop3A_257, %parallel_loop3A_258] {strides = array<i32>} : memref<400x64xf32, #tpu.memory_space<vmem>>, vector<1x16xf32>,
        %parallel_loop3A_260 = vector.shape_cast %parallel_loop3A_259 : vector<1x16xf32> to vector<16xf32>
        %parallel_loop3A_261 = vector.shape_cast %parallel_loop3A_249 : vector<16xf32> to vector<1x16xf32>
        tpu.vector_store %arg12[%parallel_loop3A_257, %parallel_loop3A_258], %parallel_loop3A_261 {add = true, strides = array<i32>} : memref<400x64xf32, #tpu.memory_space<vmem>>, vector<1x16xf32>,
        %parallel_loop3A_262 = arith.index_cast %parallel_loop3A_213 : i32 to index
        %parallel_loop3A_263 = arith.constant 48 : index
        %parallel_loop3A_264 = tpu.vector_load %arg6[%parallel_loop3A_262, %parallel_loop3A_263] {strides = array<i32>} : memref<200x64xf32, #tpu.memory_space<vmem>>, vector<1x16xf32>,
        %parallel_loop3A_265 = vector.shape_cast %parallel_loop3A_264 : vector<1x16xf32> to vector<16xf32>
        %parallel_loop3A_266 = arith.index_cast %parallel_loop3A_213 : i32 to index
        %parallel_loop3A_267 = arith.constant 48 : index
        %parallel_loop3A_268 = tpu.vector_load %arg12[%parallel_loop3A_266, %parallel_loop3A_267] {strides = array<i32>} : memref<400x64xf32, #tpu.memory_space<vmem>>, vector<1x16xf32>,
        %parallel_loop3A_269 = vector.shape_cast %parallel_loop3A_268 : vector<1x16xf32> to vector<16xf32>
        %parallel_loop3A_270 = vector.shape_cast %parallel_loop3A_265 : vector<16xf32> to vector<1x16xf32>
        tpu.vector_store %arg12[%parallel_loop3A_266, %parallel_loop3A_267], %parallel_loop3A_270 {add = true, strides = array<i32>} : memref<400x64xf32, #tpu.memory_space<vmem>>, vector<1x16xf32>,
        %parallel_loop3A_271 = arith.constant 200 : i32
        %parallel_loop3A_272 = arith.addi %parallel_loop3A_213, %parallel_loop3A_271 : i32
        %parallel_loop3A_273 = arith.index_cast %parallel_loop3A_272 : i32 to index
        %parallel_loop3A_274 = arith.constant 48 : index
        %parallel_loop3A_275 = tpu.vector_load %arg12[%parallel_loop3A_273, %parallel_loop3A_274] {strides = array<i32>} : memref<400x64xf32, #tpu.memory_space<vmem>>, vector<1x16xf32>,
        %parallel_loop3A_276 = vector.shape_cast %parallel_loop3A_275 : vector<1x16xf32> to vector<16xf32>
        %parallel_loop3A_277 = vector.shape_cast %parallel_loop3A_265 : vector<16xf32> to vector<1x16xf32>
        tpu.vector_store %arg12[%parallel_loop3A_273, %parallel_loop3A_274], %parallel_loop3A_277 {add = true, strides = array<i32>} : memref<400x64xf32, #tpu.memory_space<vmem>>, vector<1x16xf32>,
      } {sc.loop_unroll_factor = 8 : i64, sc.parallel_access}
      %add3A_112 = arith.addi %mul3A_2, %add3A_105 : i32
      %dma_start3A_113 = arith.constant 0 : i32
      %dma_start3A_114 = arith.constant 0 : i32
      %dma_start3A_115 = tpu.memref_slice %arg5[%add3A_112, %dma_start3A_113, %dma_start3A_114] : memref<2048x400x64xf32, #tpu.memory_space<hbm>> -> memref<1x400x64xf32, #tpu.memory_space<hbm>>
      %dma_start3A_116 = tpu.memref_squeeze %dma_start3A_115 : memref<1x400x64xf32, #tpu.memory_space<hbm>> -> memref<400x64xf32, #tpu.memory_space<hbm>>
      %dma_start3A_117 = arith.constant 0 : i32
      %dma_start3A_118 = arith.constant 0 : i32
      %dma_start3A_119 = tpu.memref_slice %arg5[%add3A_112, %dma_start3A_117, %dma_start3A_118] : memref<2048x400x64xf32, #tpu.memory_space<hbm>> -> memref<1x400x64xf32, #tpu.memory_space<hbm>>
      %dma_start3A_120 = tpu.memref_squeeze %dma_start3A_119 : memref<1x400x64xf32, #tpu.memory_space<hbm>> -> memref<400x64xf32, #tpu.memory_space<hbm>>
      tpu.enqueue_dma source(%arg12 : memref<400x64xf32, #tpu.memory_space<vmem>>) target(%dma_start3A_120 : memref<400x64xf32, #tpu.memory_space<hbm>>) target_semaphore(%arg20 : memref<!tpu.dma_semaphore, #tpu.memory_space<semaphore_mem>>)
      %gt3A_121 = arith.constant 0 : i32
      %gt3A_122 = arith.cmpi sgt, %scan3A_62, %gt3A_121 : i32
      %convert_element_type3A_123 = arith.extui %gt3A_122 : i1 to i32
      %cond3A_124 = arith.constant 0 : i32
      %cond3A_125 = arith.cmpi ne, %convert_element_type3A_123, %cond3A_124 : i32
      scf.if %cond3A_125 {
        %sub3A_213 = arith.constant 2 : i32
        %sub3A_214 = arith.subi %add3A_105, %sub3A_213 : i32
        %add3A_215 = arith.addi %mul3A_2, %sub3A_214 : i32
        %dma_wait3A_216 = arith.constant 0 : i32
        %dma_wait3A_217 = arith.constant 0 : i32
        %dma_wait3A_218 = tpu.memref_slice %arg5[%add3A_215, %dma_wait3A_216, %dma_wait3A_217] : memref<2048x400x64xf32, #tpu.memory_space<hbm>> -> memref<1x400x64xf32, #tpu.memory_space<hbm>>
        %dma_wait3A_219 = tpu.memref_squeeze %dma_wait3A_218 : memref<1x400x64xf32, #tpu.memory_space<hbm>> -> memref<400x64xf32, #tpu.memory_space<hbm>>
        %dma_wait3A_220 = arith.constant 0 : i32
        %dma_wait3A_221 = arith.constant 0 : i32
        %dma_wait3A_222 = tpu.memref_slice %arg5[%add3A_215, %dma_wait3A_220, %dma_wait3A_221] : memref<2048x400x64xf32, #tpu.memory_space<hbm>> -> memref<1x400x64xf32, #tpu.memory_space<hbm>>
        %dma_wait3A_223 = tpu.memref_squeeze %dma_wait3A_222 : memref<1x400x64xf32, #tpu.memory_space<hbm>> -> memref<400x64xf32, #tpu.memory_space<hbm>>
        tpu.wait_dma2 semaphore(%arg22 : memref<!tpu.dma_semaphore, #tpu.memory_space<semaphore_mem>>) src(%arg14 : memref<400x64xf32, #tpu.memory_space<vmem>>) dst(%dma_wait3A_223 : memref<400x64xf32, #tpu.memory_space<hbm>>)
      } else {
      }
      %add3A_126 = arith.constant 2 : i32
      %add3A_127 = arith.addi %add3A_105, %add3A_126 : i32
      %add3A_128 = arith.addi %mul3A_2, %add3A_127 : i32
      %mul3A_129 = arith.constant 400 : i32
      %mul3A_130 = arith.muli %add3A_128, %mul3A_129 : i32
      %dma_wait3A_131 = tpu.memref_slice %arg2[%mul3A_130] : memref<819200xi32, #tpu.memory_space<hbm>> -> memref<400xi32, #tpu.memory_space<hbm>>
      %dma_wait3A_132 = tpu.memref_slice %arg2[%mul3A_130] : memref<819200xi32, #tpu.memory_space<hbm>> -> memref<400xi32, #tpu.memory_space<hbm>>
      tpu.wait_dma2 semaphore(%arg26 : memref<!tpu.dma_semaphore, #tpu.memory_space<semaphore_mem>>) src(%dma_wait3A_132 : memref<400xi32, #tpu.memory_space<hbm>>) dst(%arg10 : memref<400xi32, #tpu.memory_space<vmem>>)
      %add3A_133 = arith.constant 2 : i32
      %add3A_134 = arith.addi %add3A_105, %add3A_133 : i32
      %dma_start3A_135 = arith.constant 0 : i32
      %dma_start3A_136 = arith.constant 0 : i32
      %dma_start3A_137 = tpu.memref_slice %arg3[%dma_start3A_135, %dma_start3A_136] : memref<100000x64xf32, #tpu.memory_space<hbm>> -> memref<100000x64xf32, #tpu.memory_space<hbm>>
      tpu.enqueue_indirect_dma source(%dma_start3A_137 : memref<100000x64xf32, #tpu.memory_space<hbm>>) target(%arg14 : memref<400x64xf32, #tpu.memory_space<vmem>>) offsets(%arg10 : memref<400xi32, #tpu.memory_space<vmem>>) semaphore(%arg18 : memref<!tpu.dma_semaphore, #tpu.memory_space<semaphore_mem>>)
      %lt3A = arith.constant 15 : i32
      %lt3A_138 = arith.cmpi slt, %scan3A_62, %lt3A : i32
      %convert_element_type3A_139 = arith.extui %lt3A_138 : i1 to i32
      %cond3A_140 = arith.constant 0 : i32
      %cond3A_141 = arith.cmpi ne, %convert_element_type3A_139, %cond3A_140 : i32
      scf.if %cond3A_141 {
        %add3A_213 = arith.constant 3 : i32
        %add3A_214 = arith.addi %add3A_105, %add3A_213 : i32
        %add3A_215 = arith.addi %mul3A_2, %add3A_214 : i32
        %mul3A_216 = arith.constant 400 : i32
        %mul3A_217 = arith.muli %add3A_215, %mul3A_216 : i32
        %dma_start3A_218 = tpu.memref_slice %arg2[%mul3A_217] : memref<819200xi32, #tpu.memory_space<hbm>> -> memref<400xi32, #tpu.memory_space<hbm>>
        %dma_start3A_219 = tpu.memref_slice %arg2[%mul3A_217] : memref<819200xi32, #tpu.memory_space<hbm>> -> memref<400xi32, #tpu.memory_space<hbm>>
        tpu.enqueue_dma source(%dma_start3A_219 : memref<400xi32, #tpu.memory_space<hbm>>) target(%arg7 : memref<400xi32, #tpu.memory_space<vmem>>) target_semaphore(%arg23 : memref<!tpu.dma_semaphore, #tpu.memory_space<semaphore_mem>>)
      } else {
      }
      %mul3A_142 = arith.constant 4 : i32
      %mul3A_143 = arith.muli %mul3A_142, %scan3A_62 : i32
      %add3A_144 = arith.constant 2 : i32
      %add3A_145 = arith.addi %mul3A_143, %add3A_144 : i32
      %dma_wait3A_146 = arith.constant 0 : i32
      %dma_wait3A_147 = arith.constant 0 : i32
      %dma_wait3A_148 = tpu.memref_slice %arg3[%dma_wait3A_146, %dma_wait3A_147] : memref<100000x64xf32, #tpu.memory_space<hbm>> -> memref<100000x64xf32, #tpu.memory_space<hbm>>
      tpu.wait_indirect_dma semaphore(%arg17 : memref<!tpu.dma_semaphore, #tpu.memory_space<semaphore_mem>>) src(%dma_wait3A_148 : memref<100000x64xf32, #tpu.memory_space<hbm>>) dst(%arg13 : memref<400x64xf32, #tpu.memory_space<vmem>>)
      %parallel_loop3A_149 = arith.constant 0 : i32
      %parallel_loop3A_150 = arith.constant 200 : i32
      %parallel_loop3A_151 = arith.constant 1 : i32
      scf.for %parallel_loop3A_213 = %parallel_loop3A_149 to %parallel_loop3A_150 step %parallel_loop3A_151  : i32 {
        %parallel_loop3A_214 = arith.index_cast %parallel_loop3A_213 : i32 to index
        %parallel_loop3A_215 = arith.constant 0 : index
        %parallel_loop3A_216 = tpu.vector_load %arg6[%parallel_loop3A_214, %parallel_loop3A_215] {strides = array<i32>} : memref<200x64xf32, #tpu.memory_space<vmem>>, vector<1x16xf32>,
        %parallel_loop3A_217 = vector.shape_cast %parallel_loop3A_216 : vector<1x16xf32> to vector<16xf32>
        %parallel_loop3A_218 = arith.index_cast %parallel_loop3A_213 : i32 to index
        %parallel_loop3A_219 = arith.constant 0 : index
        %parallel_loop3A_220 = tpu.vector_load %arg13[%parallel_loop3A_218, %parallel_loop3A_219] {strides = array<i32>} : memref<400x64xf32, #tpu.memory_space<vmem>>, vector<1x16xf32>,
        %parallel_loop3A_221 = vector.shape_cast %parallel_loop3A_220 : vector<1x16xf32> to vector<16xf32>
        %parallel_loop3A_222 = vector.shape_cast %parallel_loop3A_217 : vector<16xf32> to vector<1x16xf32>
        tpu.vector_store %arg13[%parallel_loop3A_218, %parallel_loop3A_219], %parallel_loop3A_222 {add = true, strides = array<i32>} : memref<400x64xf32, #tpu.memory_space<vmem>>, vector<1x16xf32>,
        %parallel_loop3A_223 = arith.constant 200 : i32
        %parallel_loop3A_224 = arith.addi %parallel_loop3A_213, %parallel_loop3A_223 : i32
        %parallel_loop3A_225 = arith.index_cast %parallel_loop3A_224 : i32 to index
        %parallel_loop3A_226 = arith.constant 0 : index
        %parallel_loop3A_227 = tpu.vector_load %arg13[%parallel_loop3A_225, %parallel_loop3A_226] {strides = array<i32>} : memref<400x64xf32, #tpu.memory_space<vmem>>, vector<1x16xf32>,
        %parallel_loop3A_228 = vector.shape_cast %parallel_loop3A_227 : vector<1x16xf32> to vector<16xf32>
        %parallel_loop3A_229 = vector.shape_cast %parallel_loop3A_217 : vector<16xf32> to vector<1x16xf32>
        tpu.vector_store %arg13[%parallel_loop3A_225, %parallel_loop3A_226], %parallel_loop3A_229 {add = true, strides = array<i32>} : memref<400x64xf32, #tpu.memory_space<vmem>>, vector<1x16xf32>,
        %parallel_loop3A_230 = arith.index_cast %parallel_loop3A_213 : i32 to index
        %parallel_loop3A_231 = arith.constant 16 : index
        %parallel_loop3A_232 = tpu.vector_load %arg6[%parallel_loop3A_230, %parallel_loop3A_231] {strides = array<i32>} : memref<200x64xf32, #tpu.memory_space<vmem>>, vector<1x16xf32>,
        %parallel_loop3A_233 = vector.shape_cast %parallel_loop3A_232 : vector<1x16xf32> to vector<16xf32>
        %parallel_loop3A_234 = arith.index_cast %parallel_loop3A_213 : i32 to index
        %parallel_loop3A_235 = arith.constant 16 : index
        %parallel_loop3A_236 = tpu.vector_load %arg13[%parallel_loop3A_234, %parallel_loop3A_235] {strides = array<i32>} : memref<400x64xf32, #tpu.memory_space<vmem>>, vector<1x16xf32>,
        %parallel_loop3A_237 = vector.shape_cast %parallel_loop3A_236 : vector<1x16xf32> to vector<16xf32>
        %parallel_loop3A_238 = vector.shape_cast %parallel_loop3A_233 : vector<16xf32> to vector<1x16xf32>
        tpu.vector_store %arg13[%parallel_loop3A_234, %parallel_loop3A_235], %parallel_loop3A_238 {add = true, strides = array<i32>} : memref<400x64xf32, #tpu.memory_space<vmem>>, vector<1x16xf32>,
        %parallel_loop3A_239 = arith.constant 200 : i32
        %parallel_loop3A_240 = arith.addi %parallel_loop3A_213, %parallel_loop3A_239 : i32
        %parallel_loop3A_241 = arith.index_cast %parallel_loop3A_240 : i32 to index
        %parallel_loop3A_242 = arith.constant 16 : index
        %parallel_loop3A_243 = tpu.vector_load %arg13[%parallel_loop3A_241, %parallel_loop3A_242] {strides = array<i32>} : memref<400x64xf32, #tpu.memory_space<vmem>>, vector<1x16xf32>,
        %parallel_loop3A_244 = vector.shape_cast %parallel_loop3A_243 : vector<1x16xf32> to vector<16xf32>
        %parallel_loop3A_245 = vector.shape_cast %parallel_loop3A_233 : vector<16xf32> to vector<1x16xf32>
        tpu.vector_store %arg13[%parallel_loop3A_241, %parallel_loop3A_242], %parallel_loop3A_245 {add = true, strides = array<i32>} : memref<400x64xf32, #tpu.memory_space<vmem>>, vector<1x16xf32>,
        %parallel_loop3A_246 = arith.index_cast %parallel_loop3A_213 : i32 to index
        %parallel_loop3A_247 = arith.constant 32 : index
        %parallel_loop3A_248 = tpu.vector_load %arg6[%parallel_loop3A_246, %parallel_loop3A_247] {strides = array<i32>} : memref<200x64xf32, #tpu.memory_space<vmem>>, vector<1x16xf32>,
        %parallel_loop3A_249 = vector.shape_cast %parallel_loop3A_248 : vector<1x16xf32> to vector<16xf32>
        %parallel_loop3A_250 = arith.index_cast %parallel_loop3A_213 : i32 to index
        %parallel_loop3A_251 = arith.constant 32 : index
        %parallel_loop3A_252 = tpu.vector_load %arg13[%parallel_loop3A_250, %parallel_loop3A_251] {strides = array<i32>} : memref<400x64xf32, #tpu.memory_space<vmem>>, vector<1x16xf32>,
        %parallel_loop3A_253 = vector.shape_cast %parallel_loop3A_252 : vector<1x16xf32> to vector<16xf32>
        %parallel_loop3A_254 = vector.shape_cast %parallel_loop3A_249 : vector<16xf32> to vector<1x16xf32>
        tpu.vector_store %arg13[%parallel_loop3A_250, %parallel_loop3A_251], %parallel_loop3A_254 {add = true, strides = array<i32>} : memref<400x64xf32, #tpu.memory_space<vmem>>, vector<1x16xf32>,
        %parallel_loop3A_255 = arith.constant 200 : i32
        %parallel_loop3A_256 = arith.addi %parallel_loop3A_213, %parallel_loop3A_255 : i32
        %parallel_loop3A_257 = arith.index_cast %parallel_loop3A_256 : i32 to index
        %parallel_loop3A_258 = arith.constant 32 : index
        %parallel_loop3A_259 = tpu.vector_load %arg13[%parallel_loop3A_257, %parallel_loop3A_258] {strides = array<i32>} : memref<400x64xf32, #tpu.memory_space<vmem>>, vector<1x16xf32>,
        %parallel_loop3A_260 = vector.shape_cast %parallel_loop3A_259 : vector<1x16xf32> to vector<16xf32>
        %parallel_loop3A_261 = vector.shape_cast %parallel_loop3A_249 : vector<16xf32> to vector<1x16xf32>
        tpu.vector_store %arg13[%parallel_loop3A_257, %parallel_loop3A_258], %parallel_loop3A_261 {add = true, strides = array<i32>} : memref<400x64xf32, #tpu.memory_space<vmem>>, vector<1x16xf32>,
        %parallel_loop3A_262 = arith.index_cast %parallel_loop3A_213 : i32 to index
        %parallel_loop3A_263 = arith.constant 48 : index
        %parallel_loop3A_264 = tpu.vector_load %arg6[%parallel_loop3A_262, %parallel_loop3A_263] {strides = array<i32>} : memref<200x64xf32, #tpu.memory_space<vmem>>, vector<1x16xf32>,
        %parallel_loop3A_265 = vector.shape_cast %parallel_loop3A_264 : vector<1x16xf32> to vector<16xf32>
        %parallel_loop3A_266 = arith.index_cast %parallel_loop3A_213 : i32 to index
        %parallel_loop3A_267 = arith.constant 48 : index
        %parallel_loop3A_268 = tpu.vector_load %arg13[%parallel_loop3A_266, %parallel_loop3A_267] {strides = array<i32>} : memref<400x64xf32, #tpu.memory_space<vmem>>, vector<1x16xf32>,
        %parallel_loop3A_269 = vector.shape_cast %parallel_loop3A_268 : vector<1x16xf32> to vector<16xf32>
        %parallel_loop3A_270 = vector.shape_cast %parallel_loop3A_265 : vector<16xf32> to vector<1x16xf32>
        tpu.vector_store %arg13[%parallel_loop3A_266, %parallel_loop3A_267], %parallel_loop3A_270 {add = true, strides = array<i32>} : memref<400x64xf32, #tpu.memory_space<vmem>>, vector<1x16xf32>,
        %parallel_loop3A_271 = arith.constant 200 : i32
        %parallel_loop3A_272 = arith.addi %parallel_loop3A_213, %parallel_loop3A_271 : i32
        %parallel_loop3A_273 = arith.index_cast %parallel_loop3A_272 : i32 to index
        %parallel_loop3A_274 = arith.constant 48 : index
        %parallel_loop3A_275 = tpu.vector_load %arg13[%parallel_loop3A_273, %parallel_loop3A_274] {strides = array<i32>} : memref<400x64xf32, #tpu.memory_space<vmem>>, vector<1x16xf32>,
        %parallel_loop3A_276 = vector.shape_cast %parallel_loop3A_275 : vector<1x16xf32> to vector<16xf32>
        %parallel_loop3A_277 = vector.shape_cast %parallel_loop3A_265 : vector<16xf32> to vector<1x16xf32>
        tpu.vector_store %arg13[%parallel_loop3A_273, %parallel_loop3A_274], %parallel_loop3A_277 {add = true, strides = array<i32>} : memref<400x64xf32, #tpu.memory_space<vmem>>, vector<1x16xf32>,
      } {sc.loop_unroll_factor = 8 : i64, sc.parallel_access}
      %add3A_152 = arith.addi %mul3A_2, %add3A_145 : i32
      %dma_start3A_153 = arith.constant 0 : i32
      %dma_start3A_154 = arith.constant 0 : i32
      %dma_start3A_155 = tpu.memref_slice %arg5[%add3A_152, %dma_start3A_153, %dma_start3A_154] : memref<2048x400x64xf32, #tpu.memory_space<hbm>> -> memref<1x400x64xf32, #tpu.memory_space<hbm>>
      %dma_start3A_156 = tpu.memref_squeeze %dma_start3A_155 : memref<1x400x64xf32, #tpu.memory_space<hbm>> -> memref<400x64xf32, #tpu.memory_space<hbm>>
      %dma_start3A_157 = arith.constant 0 : i32
      %dma_start3A_158 = arith.constant 0 : i32
      %dma_start3A_159 = tpu.memref_slice %arg5[%add3A_152, %dma_start3A_157, %dma_start3A_158] : memref<2048x400x64xf32, #tpu.memory_space<hbm>> -> memref<1x400x64xf32, #tpu.memory_space<hbm>>
      %dma_start3A_160 = tpu.memref_squeeze %dma_start3A_159 : memref<1x400x64xf32, #tpu.memory_space<hbm>> -> memref<400x64xf32, #tpu.memory_space<hbm>>
      tpu.enqueue_dma source(%arg13 : memref<400x64xf32, #tpu.memory_space<vmem>>) target(%dma_start3A_160 : memref<400x64xf32, #tpu.memory_space<hbm>>) target_semaphore(%arg21 : memref<!tpu.dma_semaphore, #tpu.memory_space<semaphore_mem>>)
      %sub3A = arith.constant 2 : i32
      %sub3A_161 = arith.subi %add3A_145, %sub3A : i32
      %add3A_162 = arith.addi %mul3A_2, %sub3A_161 : i32
      %dma_wait3A_163 = arith.constant 0 : i32
      %dma_wait3A_164 = arith.constant 0 : i32
      %dma_wait3A_165 = tpu.memref_slice %arg5[%add3A_162, %dma_wait3A_163, %dma_wait3A_164] : memref<2048x400x64xf32, #tpu.memory_space<hbm>> -> memref<1x400x64xf32, #tpu.memory_space<hbm>>
      %dma_wait3A_166 = tpu.memref_squeeze %dma_wait3A_165 : memref<1x400x64xf32, #tpu.memory_space<hbm>> -> memref<400x64xf32, #tpu.memory_space<hbm>>
      %dma_wait3A_167 = arith.constant 0 : i32
      %dma_wait3A_168 = arith.constant 0 : i32
      %dma_wait3A_169 = tpu.memref_slice %arg5[%add3A_162, %dma_wait3A_167, %dma_wait3A_168] : memref<2048x400x64xf32, #tpu.memory_space<hbm>> -> memref<1x400x64xf32, #tpu.memory_space<hbm>>
      %dma_wait3A_170 = tpu.memref_squeeze %dma_wait3A_169 : memref<1x400x64xf32, #tpu.memory_space<hbm>> -> memref<400x64xf32, #tpu.memory_space<hbm>>
      tpu.wait_dma2 semaphore(%arg19 : memref<!tpu.dma_semaphore, #tpu.memory_space<semaphore_mem>>) src(%arg11 : memref<400x64xf32, #tpu.memory_space<vmem>>) dst(%dma_wait3A_170 : memref<400x64xf32, #tpu.memory_space<hbm>>)
      %ge3A = arith.constant 15 : i32
      %ge3A_171 = arith.cmpi sge, %scan3A_62, %ge3A : i32
      %not3A = arith.constant true
      %not3A_172 = arith.xori %ge3A_171, %not3A : i1
      %convert_element_type3A_173 = arith.extui %not3A_172 : i1 to i32
      %cond3A_174 = arith.constant 0 : i32
      %cond3A_175 = arith.cmpi ne, %convert_element_type3A_173, %cond3A_174 : i32
      scf.if %cond3A_175 {
        %add3A_213 = arith.constant 2 : i32
        %add3A_214 = arith.addi %add3A_145, %add3A_213 : i32
        %add3A_215 = arith.addi %mul3A_2, %add3A_214 : i32
        %mul3A_216 = arith.constant 400 : i32
        %mul3A_217 = arith.muli %add3A_215, %mul3A_216 : i32
        %dma_wait3A_218 = tpu.memref_slice %arg2[%mul3A_217] : memref<819200xi32, #tpu.memory_space<hbm>> -> memref<400xi32, #tpu.memory_space<hbm>>
        %dma_wait3A_219 = tpu.memref_slice %arg2[%mul3A_217] : memref<819200xi32, #tpu.memory_space<hbm>> -> memref<400xi32, #tpu.memory_space<hbm>>
        tpu.wait_dma2 semaphore(%arg23 : memref<!tpu.dma_semaphore, #tpu.memory_space<semaphore_mem>>) src(%dma_wait3A_219 : memref<400xi32, #tpu.memory_space<hbm>>) dst(%arg7 : memref<400xi32, #tpu.memory_space<vmem>>)
        %add3A_220 = arith.constant 2 : i32
        %add3A_221 = arith.addi %add3A_145, %add3A_220 : i32
        %dma_start3A_222 = arith.constant 0 : i32
        %dma_start3A_223 = arith.constant 0 : i32
        %dma_start3A_224 = tpu.memref_slice %arg3[%dma_start3A_222, %dma_start3A_223] : memref<100000x64xf32, #tpu.memory_space<hbm>> -> memref<100000x64xf32, #tpu.memory_space<hbm>>
        tpu.enqueue_indirect_dma source(%dma_start3A_224 : memref<100000x64xf32, #tpu.memory_space<hbm>>) target(%arg11 : memref<400x64xf32, #tpu.memory_space<vmem>>) offsets(%arg7 : memref<400xi32, #tpu.memory_space<vmem>>) semaphore(%arg15 : memref<!tpu.dma_semaphore, #tpu.memory_space<semaphore_mem>>)
        %add3A_225 = arith.constant 3 : i32
        %add3A_226 = arith.addi %add3A_145, %add3A_225 : i32
        %add3A_227 = arith.addi %mul3A_2, %add3A_226 : i32
        %mul3A_228 = arith.constant 400 : i32
        %mul3A_229 = arith.muli %add3A_227, %mul3A_228 : i32
        %dma_start3A_230 = tpu.memref_slice %arg2[%mul3A_229] : memref<819200xi32, #tpu.memory_space<hbm>> -> memref<400xi32, #tpu.memory_space<hbm>>
        %dma_start3A_231 = tpu.memref_slice %arg2[%mul3A_229] : memref<819200xi32, #tpu.memory_space<hbm>> -> memref<400xi32, #tpu.memory_space<hbm>>
        tpu.enqueue_dma source(%dma_start3A_231 : memref<400xi32, #tpu.memory_space<hbm>>) target(%arg8 : memref<400xi32, #tpu.memory_space<vmem>>) target_semaphore(%arg24 : memref<!tpu.dma_semaphore, #tpu.memory_space<semaphore_mem>>)
      } else {
      }
      %mul3A_176 = arith.constant 4 : i32
      %mul3A_177 = arith.muli %mul3A_176, %scan3A_62 : i32
      %add3A_178 = arith.constant 3 : i32
      %add3A_179 = arith.addi %mul3A_177, %add3A_178 : i32
      %dma_wait3A_180 = arith.constant 0 : i32
      %dma_wait3A_181 = arith.constant 0 : i32
      %dma_wait3A_182 = tpu.memref_slice %arg3[%dma_wait3A_180, %dma_wait3A_181] : memref<100000x64xf32, #tpu.memory_space<hbm>> -> memref<100000x64xf32, #tpu.memory_space<hbm>>
      tpu.wait_indirect_dma semaphore(%arg18 : memref<!tpu.dma_semaphore, #tpu.memory_space<semaphore_mem>>) src(%dma_wait3A_182 : memref<100000x64xf32, #tpu.memory_space<hbm>>) dst(%arg14 : memref<400x64xf32, #tpu.memory_space<vmem>>)
      %parallel_loop3A_183 = arith.constant 0 : i32
      %parallel_loop3A_184 = arith.constant 200 : i32
      %parallel_loop3A_185 = arith.constant 1 : i32
      scf.for %parallel_loop3A_213 = %parallel_loop3A_183 to %parallel_loop3A_184 step %parallel_loop3A_185  : i32 {
        %parallel_loop3A_214 = arith.index_cast %parallel_loop3A_213 : i32 to index
        %parallel_loop3A_215 = arith.constant 0 : index
        %parallel_loop3A_216 = tpu.vector_load %arg6[%parallel_loop3A_214, %parallel_loop3A_215] {strides = array<i32>} : memref<200x64xf32, #tpu.memory_space<vmem>>, vector<1x16xf32>,
        %parallel_loop3A_217 = vector.shape_cast %parallel_loop3A_216 : vector<1x16xf32> to vector<16xf32>
        %parallel_loop3A_218 = arith.index_cast %parallel_loop3A_213 : i32 to index
        %parallel_loop3A_219 = arith.constant 0 : index
        %parallel_loop3A_220 = tpu.vector_load %arg14[%parallel_loop3A_218, %parallel_loop3A_219] {strides = array<i32>} : memref<400x64xf32, #tpu.memory_space<vmem>>, vector<1x16xf32>,
        %parallel_loop3A_221 = vector.shape_cast %parallel_loop3A_220 : vector<1x16xf32> to vector<16xf32>
        %parallel_loop3A_222 = vector.shape_cast %parallel_loop3A_217 : vector<16xf32> to vector<1x16xf32>
        tpu.vector_store %arg14[%parallel_loop3A_218, %parallel_loop3A_219], %parallel_loop3A_222 {add = true, strides = array<i32>} : memref<400x64xf32, #tpu.memory_space<vmem>>, vector<1x16xf32>,
        %parallel_loop3A_223 = arith.constant 200 : i32
        %parallel_loop3A_224 = arith.addi %parallel_loop3A_213, %parallel_loop3A_223 : i32
        %parallel_loop3A_225 = arith.index_cast %parallel_loop3A_224 : i32 to index
        %parallel_loop3A_226 = arith.constant 0 : index
        %parallel_loop3A_227 = tpu.vector_load %arg14[%parallel_loop3A_225, %parallel_loop3A_226] {strides = array<i32>} : memref<400x64xf32, #tpu.memory_space<vmem>>, vector<1x16xf32>,
        %parallel_loop3A_228 = vector.shape_cast %parallel_loop3A_227 : vector<1x16xf32> to vector<16xf32>
        %parallel_loop3A_229 = vector.shape_cast %parallel_loop3A_217 : vector<16xf32> to vector<1x16xf32>
        tpu.vector_store %arg14[%parallel_loop3A_225, %parallel_loop3A_226], %parallel_loop3A_229 {add = true, strides = array<i32>} : memref<400x64xf32, #tpu.memory_space<vmem>>, vector<1x16xf32>,
        %parallel_loop3A_230 = arith.index_cast %parallel_loop3A_213 : i32 to index
        %parallel_loop3A_231 = arith.constant 16 : index
        %parallel_loop3A_232 = tpu.vector_load %arg6[%parallel_loop3A_230, %parallel_loop3A_231] {strides = array<i32>} : memref<200x64xf32, #tpu.memory_space<vmem>>, vector<1x16xf32>,
        %parallel_loop3A_233 = vector.shape_cast %parallel_loop3A_232 : vector<1x16xf32> to vector<16xf32>
        %parallel_loop3A_234 = arith.index_cast %parallel_loop3A_213 : i32 to index
        %parallel_loop3A_235 = arith.constant 16 : index
        %parallel_loop3A_236 = tpu.vector_load %arg14[%parallel_loop3A_234, %parallel_loop3A_235] {strides = array<i32>} : memref<400x64xf32, #tpu.memory_space<vmem>>, vector<1x16xf32>,
        %parallel_loop3A_237 = vector.shape_cast %parallel_loop3A_236 : vector<1x16xf32> to vector<16xf32>
        %parallel_loop3A_238 = vector.shape_cast %parallel_loop3A_233 : vector<16xf32> to vector<1x16xf32>
        tpu.vector_store %arg14[%parallel_loop3A_234, %parallel_loop3A_235], %parallel_loop3A_238 {add = true, strides = array<i32>} : memref<400x64xf32, #tpu.memory_space<vmem>>, vector<1x16xf32>,
        %parallel_loop3A_239 = arith.constant 200 : i32
        %parallel_loop3A_240 = arith.addi %parallel_loop3A_213, %parallel_loop3A_239 : i32
        %parallel_loop3A_241 = arith.index_cast %parallel_loop3A_240 : i32 to index
        %parallel_loop3A_242 = arith.constant 16 : index
        %parallel_loop3A_243 = tpu.vector_load %arg14[%parallel_loop3A_241, %parallel_loop3A_242] {strides = array<i32>} : memref<400x64xf32, #tpu.memory_space<vmem>>, vector<1x16xf32>,
        %parallel_loop3A_244 = vector.shape_cast %parallel_loop3A_243 : vector<1x16xf32> to vector<16xf32>
        %parallel_loop3A_245 = vector.shape_cast %parallel_loop3A_233 : vector<16xf32> to vector<1x16xf32>
        tpu.vector_store %arg14[%parallel_loop3A_241, %parallel_loop3A_242], %parallel_loop3A_245 {add = true, strides = array<i32>} : memref<400x64xf32, #tpu.memory_space<vmem>>, vector<1x16xf32>,
        %parallel_loop3A_246 = arith.index_cast %parallel_loop3A_213 : i32 to index
        %parallel_loop3A_247 = arith.constant 32 : index
        %parallel_loop3A_248 = tpu.vector_load %arg6[%parallel_loop3A_246, %parallel_loop3A_247] {strides = array<i32>} : memref<200x64xf32, #tpu.memory_space<vmem>>, vector<1x16xf32>,
        %parallel_loop3A_249 = vector.shape_cast %parallel_loop3A_248 : vector<1x16xf32> to vector<16xf32>
        %parallel_loop3A_250 = arith.index_cast %parallel_loop3A_213 : i32 to index
        %parallel_loop3A_251 = arith.constant 32 : index
        %parallel_loop3A_252 = tpu.vector_load %arg14[%parallel_loop3A_250, %parallel_loop3A_251] {strides = array<i32>} : memref<400x64xf32, #tpu.memory_space<vmem>>, vector<1x16xf32>,
        %parallel_loop3A_253 = vector.shape_cast %parallel_loop3A_252 : vector<1x16xf32> to vector<16xf32>
        %parallel_loop3A_254 = vector.shape_cast %parallel_loop3A_249 : vector<16xf32> to vector<1x16xf32>
        tpu.vector_store %arg14[%parallel_loop3A_250, %parallel_loop3A_251], %parallel_loop3A_254 {add = true, strides = array<i32>} : memref<400x64xf32, #tpu.memory_space<vmem>>, vector<1x16xf32>,
        %parallel_loop3A_255 = arith.constant 200 : i32
        %parallel_loop3A_256 = arith.addi %parallel_loop3A_213, %parallel_loop3A_255 : i32
        %parallel_loop3A_257 = arith.index_cast %parallel_loop3A_256 : i32 to index
        %parallel_loop3A_258 = arith.constant 32 : index
        %parallel_loop3A_259 = tpu.vector_load %arg14[%parallel_loop3A_257, %parallel_loop3A_258] {strides = array<i32>} : memref<400x64xf32, #tpu.memory_space<vmem>>, vector<1x16xf32>,
        %parallel_loop3A_260 = vector.shape_cast %parallel_loop3A_259 : vector<1x16xf32> to vector<16xf32>
        %parallel_loop3A_261 = vector.shape_cast %parallel_loop3A_249 : vector<16xf32> to vector<1x16xf32>
        tpu.vector_store %arg14[%parallel_loop3A_257, %parallel_loop3A_258], %parallel_loop3A_261 {add = true, strides = array<i32>} : memref<400x64xf32, #tpu.memory_space<vmem>>, vector<1x16xf32>,
        %parallel_loop3A_262 = arith.index_cast %parallel_loop3A_213 : i32 to index
        %parallel_loop3A_263 = arith.constant 48 : index
        %parallel_loop3A_264 = tpu.vector_load %arg6[%parallel_loop3A_262, %parallel_loop3A_263] {strides = array<i32>} : memref<200x64xf32, #tpu.memory_space<vmem>>, vector<1x16xf32>,
        %parallel_loop3A_265 = vector.shape_cast %parallel_loop3A_264 : vector<1x16xf32> to vector<16xf32>
        %parallel_loop3A_266 = arith.index_cast %parallel_loop3A_213 : i32 to index
        %parallel_loop3A_267 = arith.constant 48 : index
        %parallel_loop3A_268 = tpu.vector_load %arg14[%parallel_loop3A_266, %parallel_loop3A_267] {strides = array<i32>} : memref<400x64xf32, #tpu.memory_space<vmem>>, vector<1x16xf32>,
        %parallel_loop3A_269 = vector.shape_cast %parallel_loop3A_268 : vector<1x16xf32> to vector<16xf32>
        %parallel_loop3A_270 = vector.shape_cast %parallel_loop3A_265 : vector<16xf32> to vector<1x16xf32>
        tpu.vector_store %arg14[%parallel_loop3A_266, %parallel_loop3A_267], %parallel_loop3A_270 {add = true, strides = array<i32>} : memref<400x64xf32, #tpu.memory_space<vmem>>, vector<1x16xf32>,
        %parallel_loop3A_271 = arith.constant 200 : i32
        %parallel_loop3A_272 = arith.addi %parallel_loop3A_213, %parallel_loop3A_271 : i32
        %parallel_loop3A_273 = arith.index_cast %parallel_loop3A_272 : i32 to index
        %parallel_loop3A_274 = arith.constant 48 : index
        %parallel_loop3A_275 = tpu.vector_load %arg14[%parallel_loop3A_273, %parallel_loop3A_274] {strides = array<i32>} : memref<400x64xf32, #tpu.memory_space<vmem>>, vector<1x16xf32>,
        %parallel_loop3A_276 = vector.shape_cast %parallel_loop3A_275 : vector<1x16xf32> to vector<16xf32>
        %parallel_loop3A_277 = vector.shape_cast %parallel_loop3A_265 : vector<16xf32> to vector<1x16xf32>
        tpu.vector_store %arg14[%parallel_loop3A_273, %parallel_loop3A_274], %parallel_loop3A_277 {add = true, strides = array<i32>} : memref<400x64xf32, #tpu.memory_space<vmem>>, vector<1x16xf32>,
      } {sc.loop_unroll_factor = 8 : i64, sc.parallel_access}
      %add3A_186 = arith.addi %mul3A_2, %add3A_179 : i32
      %dma_start3A_187 = arith.constant 0 : i32
      %dma_start3A_188 = arith.constant 0 : i32
      %dma_start3A_189 = tpu.memref_slice %arg5[%add3A_186, %dma_start3A_187, %dma_start3A_188] : memref<2048x400x64xf32, #tpu.memory_space<hbm>> -> memref<1x400x64xf32, #tpu.memory_space<hbm>>
      %dma_start3A_190 = tpu.memref_squeeze %dma_start3A_189 : memref<1x400x64xf32, #tpu.memory_space<hbm>> -> memref<400x64xf32, #tpu.memory_space<hbm>>
      %dma_start3A_191 = arith.constant 0 : i32
      %dma_start3A_192 = arith.constant 0 : i32
      %dma_start3A_193 = tpu.memref_slice %arg5[%add3A_186, %dma_start3A_191, %dma_start3A_192] : memref<2048x400x64xf32, #tpu.memory_space<hbm>> -> memref<1x400x64xf32, #tpu.memory_space<hbm>>
      %dma_start3A_194 = tpu.memref_squeeze %dma_start3A_193 : memref<1x400x64xf32, #tpu.memory_space<hbm>> -> memref<400x64xf32, #tpu.memory_space<hbm>>
      tpu.enqueue_dma source(%arg14 : memref<400x64xf32, #tpu.memory_space<vmem>>) target(%dma_start3A_194 : memref<400x64xf32, #tpu.memory_space<hbm>>) target_semaphore(%arg22 : memref<!tpu.dma_semaphore, #tpu.memory_space<semaphore_mem>>)
      %sub3A_195 = arith.constant 2 : i32
      %sub3A_196 = arith.subi %add3A_179, %sub3A_195 : i32
      %add3A_197 = arith.addi %mul3A_2, %sub3A_196 : i32
      %dma_wait3A_198 = arith.constant 0 : i32
      %dma_wait3A_199 = arith.constant 0 : i32
      %dma_wait3A_200 = tpu.memref_slice %arg5[%add3A_197, %dma_wait3A_198, %dma_wait3A_199] : memref<2048x400x64xf32, #tpu.memory_space<hbm>> -> memref<1x400x64xf32, #tpu.memory_space<hbm>>
      %dma_wait3A_201 = tpu.memref_squeeze %dma_wait3A_200 : memref<1x400x64xf32, #tpu.memory_space<hbm>> -> memref<400x64xf32, #tpu.memory_space<hbm>>
      %dma_wait3A_202 = arith.constant 0 : i32
      %dma_wait3A_203 = arith.constant 0 : i32
      %dma_wait3A_204 = tpu.memref_slice %arg5[%add3A_197, %dma_wait3A_202, %dma_wait3A_203] : memref<2048x400x64xf32, #tpu.memory_space<hbm>> -> memref<1x400x64xf32, #tpu.memory_space<hbm>>
      %dma_wait3A_205 = tpu.memref_squeeze %dma_wait3A_204 : memref<1x400x64xf32, #tpu.memory_space<hbm>> -> memref<400x64xf32, #tpu.memory_space<hbm>>
      tpu.wait_dma2 semaphore(%arg20 : memref<!tpu.dma_semaphore, #tpu.memory_space<semaphore_mem>>) src(%arg12 : memref<400x64xf32, #tpu.memory_space<vmem>>) dst(%dma_wait3A_205 : memref<400x64xf32, #tpu.memory_space<hbm>>)
      %ge3A_206 = arith.constant 15 : i32
      %ge3A_207 = arith.cmpi sge, %scan3A_62, %ge3A_206 : i32
      %not3A_208 = arith.constant true
      %not3A_209 = arith.xori %ge3A_207, %not3A_208 : i1
      %convert_element_type3A_210 = arith.extui %not3A_209 : i1 to i32
      %cond3A_211 = arith.constant 0 : i32
      %cond3A_212 = arith.cmpi ne, %convert_element_type3A_210, %cond3A_211 : i32
      scf.if %cond3A_212 {
        %add3A_213 = arith.constant 2 : i32
        %add3A_214 = arith.addi %add3A_179, %add3A_213 : i32
        %add3A_215 = arith.addi %mul3A_2, %add3A_214 : i32
        %mul3A_216 = arith.constant 400 : i32
        %mul3A_217 = arith.muli %add3A_215, %mul3A_216 : i32
        %dma_wait3A_218 = tpu.memref_slice %arg2[%mul3A_217] : memref<819200xi32, #tpu.memory_space<hbm>> -> memref<400xi32, #tpu.memory_space<hbm>>
        %dma_wait3A_219 = tpu.memref_slice %arg2[%mul3A_217] : memref<819200xi32, #tpu.memory_space<hbm>> -> memref<400xi32, #tpu.memory_space<hbm>>
        tpu.wait_dma2 semaphore(%arg24 : memref<!tpu.dma_semaphore, #tpu.memory_space<semaphore_mem>>) src(%dma_wait3A_219 : memref<400xi32, #tpu.memory_space<hbm>>) dst(%arg8 : memref<400xi32, #tpu.memory_space<vmem>>)
        %add3A_220 = arith.constant 2 : i32
        %add3A_221 = arith.addi %add3A_179, %add3A_220 : i32
        %dma_start3A_222 = arith.constant 0 : i32
        %dma_start3A_223 = arith.constant 0 : i32
        %dma_start3A_224 = tpu.memref_slice %arg3[%dma_start3A_222, %dma_start3A_223] : memref<100000x64xf32, #tpu.memory_space<hbm>> -> memref<100000x64xf32, #tpu.memory_space<hbm>>
        tpu.enqueue_indirect_dma source(%dma_start3A_224 : memref<100000x64xf32, #tpu.memory_space<hbm>>) target(%arg12 : memref<400x64xf32, #tpu.memory_space<vmem>>) offsets(%arg8 : memref<400xi32, #tpu.memory_space<vmem>>) semaphore(%arg16 : memref<!tpu.dma_semaphore, #tpu.memory_space<semaphore_mem>>)
        %add3A_225 = arith.constant 3 : i32
        %add3A_226 = arith.addi %add3A_179, %add3A_225 : i32
        %add3A_227 = arith.addi %mul3A_2, %add3A_226 : i32
        %mul3A_228 = arith.constant 400 : i32
        %mul3A_229 = arith.muli %add3A_227, %mul3A_228 : i32
        %dma_start3A_230 = tpu.memref_slice %arg2[%mul3A_229] : memref<819200xi32, #tpu.memory_space<hbm>> -> memref<400xi32, #tpu.memory_space<hbm>>
        %dma_start3A_231 = tpu.memref_slice %arg2[%mul3A_229] : memref<819200xi32, #tpu.memory_space<hbm>> -> memref<400xi32, #tpu.memory_space<hbm>>
        tpu.enqueue_dma source(%dma_start3A_231 : memref<400xi32, #tpu.memory_space<hbm>>) target(%arg9 : memref<400xi32, #tpu.memory_space<vmem>>) target_semaphore(%arg25 : memref<!tpu.dma_semaphore, #tpu.memory_space<semaphore_mem>>)
      } else {
      }
    }
    %scan3A_41 = arith.constant 16 : i32
    %add3A_42 = arith.constant 62 : i32
    %add3A_43 = arith.addi %mul3A_2, %add3A_42 : i32
    %dma_wait3A_44 = arith.constant 0 : i32
    %dma_wait3A_45 = arith.constant 0 : i32
    %dma_wait3A_46 = tpu.memref_slice %arg5[%add3A_43, %dma_wait3A_44, %dma_wait3A_45] : memref<2048x400x64xf32, #tpu.memory_space<hbm>> -> memref<1x400x64xf32, #tpu.memory_space<hbm>>
    %dma_wait3A_47 = tpu.memref_squeeze %dma_wait3A_46 : memref<1x400x64xf32, #tpu.memory_space<hbm>> -> memref<400x64xf32, #tpu.memory_space<hbm>>
    %dma_wait3A_48 = arith.constant 0 : i32
    %dma_wait3A_49 = arith.constant 0 : i32
    %dma_wait3A_50 = tpu.memref_slice %arg5[%add3A_43, %dma_wait3A_48, %dma_wait3A_49] : memref<2048x400x64xf32, #tpu.memory_space<hbm>> -> memref<1x400x64xf32, #tpu.memory_space<hbm>>
    %dma_wait3A_51 = tpu.memref_squeeze %dma_wait3A_50 : memref<1x400x64xf32, #tpu.memory_space<hbm>> -> memref<400x64xf32, #tpu.memory_space<hbm>>
    tpu.wait_dma2 semaphore(%arg21 : memref<!tpu.dma_semaphore, #tpu.memory_space<semaphore_mem>>) src(%arg13 : memref<400x64xf32, #tpu.memory_space<vmem>>) dst(%dma_wait3A_51 : memref<400x64xf32, #tpu.memory_space<hbm>>)
    %add3A_52 = arith.constant 63 : i32
    %add3A_53 = arith.addi %mul3A_2, %add3A_52 : i32
    %dma_wait3A_54 = arith.constant 0 : i32
    %dma_wait3A_55 = arith.constant 0 : i32
    %dma_wait3A_56 = tpu.memref_slice %arg5[%add3A_53, %dma_wait3A_54, %dma_wait3A_55] : memref<2048x400x64xf32, #tpu.memory_space<hbm>> -> memref<1x400x64xf32, #tpu.memory_space<hbm>>
    %dma_wait3A_57 = tpu.memref_squeeze %dma_wait3A_56 : memref<1x400x64xf32, #tpu.memory_space<hbm>> -> memref<400x64xf32, #tpu.memory_space<hbm>>
    %dma_wait3A_58 = arith.constant 0 : i32
    %dma_wait3A_59 = arith.constant 0 : i32
    %dma_wait3A_60 = tpu.memref_slice %arg5[%add3A_53, %dma_wait3A_58, %dma_wait3A_59] : memref<2048x400x64xf32, #tpu.memory_space<hbm>> -> memref<1x400x64xf32, #tpu.memory_space<hbm>>
    %dma_wait3A_61 = tpu.memref_squeeze %dma_wait3A_60 : memref<1x400x64xf32, #tpu.memory_space<hbm>> -> memref<400x64xf32, #tpu.memory_space<hbm>>
    tpu.wait_dma2 semaphore(%arg22 : memref<!tpu.dma_semaphore, #tpu.memory_space<semaphore_mem>>) src(%arg14 : memref<400x64xf32, #tpu.memory_space<vmem>>) dst(%dma_wait3A_61 : memref<400x64xf32, #tpu.memory_space<hbm>>)
    return
  }
}

</mosaic_0001>

<sc_bundles>
// kernel: _emb_call.3.cloned.1.call-start
scs
__scs_entry_jumppad:
0x0: {  	(pc) =	sbr.rel $0x88, $3  }
0x1: {  	(tag) =	ssettag $0x0;
	lr =	simm.s32 $0x1  }
0x2: {  	[smem:$0x3F9E] =	sst lr;
	_ =	strace $0xD0000000  }
0x3: {  	_ = 	snop  }
0x4: {  	_ = 	snop  }
0x5: {  	_ = 	snop  }
0x6: {  	_ = 	snop  }
0x7: {  	_ = 	snop  }
__scs_overlays_trampoline_lowered:
0x8: {  	[smem:$0x3FAD] =	sst s0  }
0x9: {  	[smem:$0x3FAE] =	sst s1  }
0xa: {  	[smem:$0x3FAF] =	sst s2  }
0xb: {  	[smem:$0x3FB0] =	sst s3  }
0xc: {  	[smem:$0x3FB1] =	sst s4  }
0xd: {  	[smem:$0x3FB2] =	sst s5  }
0xe: {  	[smem:$0x3FB3] =	sst s6  }
0xf: {  	[smem:$0x3FB4] =	sst s7  }
0x10: {  	[smem:$0x3FB5] =	sst s8  }
0x11: {  	[smem:$0x3FB6] =	sst s9;
	s0 =	simm.s32 @!p0 $0x0  }
0x12: {  	s1 =	sld [smem:$0x3F9C];
	s0 =	simm.s32 @p0 $0x1  }
0x13: {  	[smem:$0x3FB7] =	sst s0;
	s0 =	simm.s32 @!p1 $0x0  }
0x14: {  	s2 =	sld [smem:$0x3F9B];
	s0 =	simm.s32 @p1 $0x1  }
0x15: {  	[smem:$0x3FB8] =	sst s0;
	s0 =	simm.s32 @!p2 $0x0  }
0x16: {  	s3 =	sld [smem:$0x3FDB];
	s0 =	simm.s32 @p2 $0x1  }
0x17: {  	s4 =	simm.s32 $0x1BF5;
	[smem:$0x3FBA] =	sst s0  }
0x18: {  	s0 =	sld [smem:$0x3F9D];
	_ =	swait.ge [sflag:s4], $0x0  }
0x19: {  	s7 =	sld [smem:$0x3F9E]  }
0x1a: {  	s8 =	sadd.s32 $0xFFFFE003, lr  }
0x1b: {  	s9 =	sadd.s32 $0xFFFFFEF7, lr;
	s5 =	simm.s32 $0xFFFFFFFF;
	p2 =	slt.u32 s8, $0xFFFFF086  }
0x1c: {  	p1 =	slt.u32 s9, $0xF7A;
	s5 =	simm.s32 @!p2 $0x0  }
0x1d: {  	s5 =	simm.s32 @p1 $0x1;
	p0 =	seq.s32 s7, s2  }
0x1e: {  	s7 =	smul.u32 @!p0 $0xF7A, s2;
	p2 =	seq.s32 @!p0 s5, $0x0  }
0x1f: {  	s9 =	smul.u32 $0xF7A, s1;
	s8 =	simm.s32 @!p0 $0x1BF5;
	p2 =	por !p2, p0  }
0x20: {  	[sflag:s8] =	ssyncset.s32 @!p0 $0xFFFFF086;
	s6 =	sadd.s32 @!p0 s3, s7;
	s7 =	simm.s32 @!p0 $0x108  }
0x21: {  	s3 =	sadd.s32 s3, s9;
	s6 =	sadd.s32 @!p0 $0x88, s6;
	s7 =	simm.s32 @p2 $0x1082  }
0x22: {  	[simem:s7], [sflag:s8] =	dma.local @!p0 [hbm:s6], $0xF7A  }
0x23: {  	s9 =	sor.u32 $0xD0000000, s2;
	s6 =	simm.s32 $0x108;
	_ =	swait.ge @!p0 [sflag:s8], $0x0  }
0x24: {  	s3 =	sadd.s32 $0x88, s3;
	s6 =	simm.s32 @!p1 $0x1082;
	[sflag:s4] =	ssyncset.s32 $0xFFFFF086  }
0x25: {  	[simem:s6], [sflag:s4] =	dma.local [hbm:s3], $0xF7A  }
0x26: {  	[smem:$0x3F9E] =	sst s1;
	(tag) =	ssettag s2;
	_ =	strace s9  }
0x27: {  	s1 =	sld [smem:$0x3FAE]  }
0x28: {  	s2 =	sld [smem:$0x3FAF]  }
0x29: {  	s4 =	sld [smem:$0x3FB1]  }
0x2a: {  	p0 =	seq.s32 s5, $0x0;
	s5 =	sld [smem:$0x3FB2]  }
0x2b: {  	s6 =	sld [smem:$0x3FB3]  }
0x2c: {  	s7 =	sld [smem:$0x3FB4]  }
0x2d: {  	s3 =	simm.s32 $0x108;
	s8 =	sld [smem:$0x3FB5]  }
0x2e: {  	s3 =	simm.s32 @!p0 $0x1082;
	s9 =	sld [smem:$0x3FB6]  }
0x2f: {  	lr =	sadd.s32 s0, s3;
	s0 =	sld [smem:$0x3FAD]  }
0x30: {  	s3 =	sld [smem:$0x3FB0]  }
0x31: {  	[smem:$0x3FB9] =	sst s10  }
0x32: {  	s10 =	sld [smem:$0x3FB7];
	_ =	sdelay $0x3  }
0x33: {  	p0 =	seq.s32 s10, $0x1;
	s10 =	sld [smem:$0x3FB9];
	_ =	sdelay $0x3  }
0x34: {  	[smem:$0x3FB9] =	sst s10  }
0x35: {  	s10 =	sld [smem:$0x3FB8];
	_ =	sdelay $0x3  }
0x36: {  	p1 =	seq.s32 s10, $0x1;
	s10 =	sld [smem:$0x3FB9];
	_ =	sdelay $0x3  }
0x37: {  	[smem:$0x3FB9] =	sst s10  }
0x38: {  	s10 =	sld [smem:$0x3FBA]  }
0x39: {  	_ = 	snop;
	(pc) =	sbr.ind lr, $3  }
0x3a: {  	_ = 	snop  }
0x3b: {  	_ = 	snop  }
0x3c: {  	p2 =	seq.s32 s10, $0x1;
	s10 =	sld [smem:$0x3FB9]  }
0x3d: {  	_ =	shalt  }
0x3e: {  	_ =	shalt  }
0x3f: {  	_ =	shalt  }
0x40: {  	_ =	shalt  }
0x41: {  	_ =	shalt  }
0x42: {  	_ =	shalt  }
0x43: {  	_ =	shalt  }
0x44: {  	_ =	shalt  }
0x45: {  	_ =	shalt  }
0x46: {  	_ =	shalt  }
0x47: {  	_ =	shalt  }
0x48: {  	_ =	shalt  }
0x49: {  	_ =	shalt  }
0x4a: {  	_ =	shalt  }
0x4b: {  	_ =	shalt  }
0x4c: {  	_ =	shalt  }
0x4d: {  	_ =	shalt  }
0x4e: {  	_ =	shalt  }
0x4f: {  	_ =	shalt  }
0x50: {  	_ =	shalt  }
0x51: {  	_ =	shalt  }
0x52: {  	_ =	shalt  }
0x53: {  	_ =	shalt  }
0x54: {  	_ =	shalt  }
0x55: {  	_ =	shalt  }
0x56: {  	_ =	shalt  }
0x57: {  	_ =	shalt  }
0x58: {  	_ =	shalt  }
0x59: {  	_ =	shalt  }
0x5a: {  	_ =	shalt  }
0x5b: {  	_ =	shalt  }
0x5c: {  	_ =	shalt  }
0x5d: {  	_ =	shalt  }
0x5e: {  	_ =	shalt  }
0x5f: {  	_ =	shalt  }
0x60: {  	_ =	shalt  }
0x61: {  	_ =	shalt  }
0x62: {  	_ =	shalt  }
0x63: {  	_ =	shalt  }
0x64: {  	_ =	shalt  }
0x65: {  	_ =	shalt  }
0x66: {  	_ =	shalt  }
0x67: {  	_ =	shalt  }
0x68: {  	_ =	shalt  }
0x69: {  	_ =	shalt  }
0x6a: {  	_ =	shalt  }
0x6b: {  	_ =	shalt  }
0x6c: {  	_ =	shalt  }
0x6d: {  	_ =	shalt  }
0x6e: {  	_ =	shalt  }
0x6f: {  	_ =	shalt  }
0x70: {  	_ =	shalt  }
0x71: {  	_ =	shalt  }
0x72: {  	_ =	shalt  }
0x73: {  	_ =	shalt  }
0x74: {  	_ =	shalt  }
0x75: {  	_ =	shalt  }
0x76: {  	_ =	shalt  }
0x77: {  	_ =	shalt  }
0x78: {  	_ =	shalt  }
0x79: {  	_ =	shalt  }
0x7a: {  	_ =	shalt  }
0x7b: {  	_ =	shalt  }
0x7c: {  	_ =	shalt  }
0x7d: {  	_ =	shalt  }
0x7e: {  	_ =	shalt  }
0x7f: {  	_ =	shalt  }
0x80: {  	_ =	shalt  }
0x81: {  	_ =	shalt  }
0x82: {  	_ =	shalt  }
0x83: {  	_ =	shalt  }
0x84: {  	_ =	shalt  }
0x85: {  	_ =	shalt  }
0x86: {  	_ =	shalt  }
0x87: {  	_ =	shalt  }
.Lfunc_end0:
.L_simem_size_0:
called_computation.1_lowered:
.L_overlay_start_0:
0x88: {  	s2 =	sld [smem:$0x3FD9]  }
0x89: {  	s3 =	sld [smem:$0x3FFE];
	_ =	sdelay $0x1  }
0x8a: {  	s1 =	srdreg.scid  }
0x8b: {  	s0 =	sand.u32 $0x1, s1  }
0x8c: {  	s17 =	sshll.u32 s0, $0xA;
	s2 =	sadd.s32 s3, s2  }
0x8d: {  	s2 =	sadd.s32 s2, s17  }
0x8e: {  	[smem:$0x3FC5] =	sst s2  }
0x8f: {  	_ = 	snop  }
0x90: {  	s2 =	sld [smem:$0x3FC9]  }
0x91: {  	s18 =	sld [smem:$0x3FD0];
	(tm) =	ssettm $0x1  }
0x92: {  	s4 =	sld [smem:$0x3FFB];
	_ =	sdelay $0x3  }
0x93: {  	_ =	strace s4  }
0x94: {  	s4 =	sld [smem:$0x3FFC];
	_ =	sdelay $0x3  }
0x95: {  	_ =	strace s4  }
0x96: {  	s4 =	sld [smem:$0x3FFD];
	_ =	sdelay $0x3  }
0x97: {  	_ =	strace s4  }
0x98: {  	_ =	strace $0x8FFFFFFF  }
0x99: {  	s19 =	sld [smem:$0x3FDB];
	_ =	sdelay $0x1  }
0x9a: {  	s5 =	simm.s32 $_scs_section_size  }
0x9b: {  	s6 =	simm.s32 $_size__tile_overlayer_lowered;
	s7 =	simm.s32 $_tile_overlayer_lowered  }
0x9c: {  	s22 =	simm.s32 $0x1BFF;
	s21 =	sshll.u32 s7, $0x1;
	s4 =	sadd.s32 s5, s19  }
0x9d: {  	s8 =	simm.s32 $0x0;
	s20 =	sshll.u32 s6, $0x1;
	s6 =	sadd.s32 s21, s4  }
0x9e: {  	[timem:s8], [sflag:s22] =	dma.local [hbm:s6], s20  }
0x9f: {  	_ =	swait.ge [sflag:s22], s20  }
0xa0: {  	s5 =	ssub.s32 $0x0, s20;
	[sflag:s22] =	ssyncset.done $0x0  }
0xa1: {  	[sflag:s22] =	ssyncadd.s32 s5;
	_ =	sdelay $0x1  }
0xa2: {  	s23 =	simm.s32 $0x1B8B  }
0xa3: {  	_ =	swait.ge [sflag:s23], $0x1  }
0xa4: {  	[sflag:s23] =	ssyncset.done $0x0  }
0xa5: {  	s25 =	simm.s32 $0x1B8E;
	s24 =	sld [smem:$0x3FFE];
	[sflag:s23] =	ssyncadd.s32 $0xFFFFFFFF  }
0xa6: {  	s26 =	simm.s32 $execute0_lowered;
	[smem:$0x3FD2] =	sst s25  }
0xa7: {  	s6 =	sshll.u32 s26, $0x1;
	_ =	strace $0x80000046;
	[dreg:$0x1] =	wrdreg $0xFFFFFFFF  }
0xa8: {  	s28 =	simm.s32 $_size_execute0_lowered;
	s4 =	sadd.s32 s4, s6;
	[dreg:$0x0] =	wrdreg $0x0  }
0xa9: {  	s6 =	sshll.u32 s28, $0x1;
	[dreg:$0x2] =	wrdreg s4  }
0xaa: {  	[dreg:$0x3] =	wrdreg s6  }
0xab: {  	[dreg:$0x4] =	wrdreg $0xC0  }
0xac: {  	_ =	task [dreg:s8], $0x5FFFF  }
0xad: {  	[dreg:$0x1] =	wrdreg $0xFFFFFFFF  }
0xae: {  	[dreg:$0x0] =	wrdreg $0x60  }
0xaf: {  	[dreg:$0x2] =	wrdreg s2  }
0xb0: {  	[dreg:$0x3] =	wrdreg s24  }
0xb1: {  	[dreg:$0x4] =	wrdreg s18  }
0xb2: {  	[dreg:$0x5] =	wrdreg $0x9  }
0xb3: {  	_ =	task.clear_ibuf [dreg:s8], $0x6FFFF;
	_ =	strace $0x90000046  }
0xb4: {  	s29 =	simm.s32 $0x9;
	_ =	strace $0x80000048  }
0xb5: {  	_ =	swait.ge [sflag:s29], $0x1  }
0xb6: {  	[sflag:s29] =	ssyncadd.s32 $0xFFFFFFFF  }
0xb7: {  	_ =	strace $0x90000048  }
0xb8: {  	_ =	sfence  }
0xb9: {  	s30 =	sld [smem:$0x0];
	_ =	sdelay $0x2  }
0xba: {  	s31 =	sshll.u32 s1, $0xD;
	s1 =	sshrl.u32 s1, $0x2  }
0xbb: {  	s3 =	sand.u32 $0x4000, s31;
	s1 =	sadd.s32 s1, s30  }
0xbc: {  	s0 =	sor.u32 s3, s0;
	s1 =	sshll.u32 s1, $0x11  }
0xbd: {  	s0 =	sor.u32 s1, s0  }
0xbe: {  	s0 =	sadd.s32 $0x8F2B, s0  }
0xbf: {  	[sflag:s0] =	ssyncadd.remote.s32 $0x1  }
0xc0: {  	_ =	sfence.sel $0xFFFF  }
0xc1: {  	[dreg:$0x0] =	wrdreg $0xFFFFFFFF;
	(pc) =	sbr.abs _section_cstart, $3  }
0xc2: {  	[dreg:$0x1] =	wrdreg $0xFFFFFFFF  }
0xc3: {  	_ =	task.clear_ibuf [dreg:s8], $0x2FFFF;
	_ =	strace $0x9FFFFFFF  }
0xc4: {  	(tm) =	ssettm $0x7FFFFFFF  }
0xc5: {  	_ =	shalt  }
tec
execute0_lowered:
.L_overlay_start_1:
0x0: {  	(tag) =	ssettag $0x1  }
0x1: {  	s1 =	rddreg [dreg:$0x0]  }
0x2: {  	s0 =	rddreg [dreg:$0x1]  }
0x3: {  	s3 =	rddreg [dreg:$0x2]  }
0x4: {  	s2 =	srdreg.scid;
	s5 =	stileid.u32;
	s4 =	simm.s32 $0x0  }
0x5: {  	s19 =	simm.s32 $0x3520;
	s21 =	simm.s32 $0x190;
	s23 =	simm.s32 $0xA  }
0x6: {  	s28 =	simm.s32 $0x10040;
	s29 =	simm.s32 $0x36B0;
	s30 =	simm.s32 $0x2  }
0x7: {  	s31 =	simm.s32 $0xC;
	s17 =	simm.s32 $0x5;
	s9 =	simm.s32 $0x6  }
0x8: {  	s2 =	sand.u32 $0x1, s2;
	s5 =	sshll.u32 s5, $0x1;
	[smem:$0x7FF] =	sst s4  }
0x9: {  	s14 =	simm.s32 $0x0;
	s6 =	sor.u32 s2, s5;
	_ =	strace $0x80000047  }
0xa: {  	s2 =	ssub.s32 $0x2, s2;
	s5 =	sadd.s32 $0x1000, s0;
	s0 =	sadd.s32 $0x800, s0  }
0xb: {  	s8 =	smul.u32 $0xC80, s6;
	[dreg:$0x4] =	wrdreg s0;
	s24 =	sshrl.u32 s2, $0x1  }
0xc: {  	s7 =	sshll.u32 s6, $0x6;
	s6 =	simm.s32 $0x4;
	s0 =	ssub.s32 s2, s24  }
0xd: {  	s11 =	sor.u32 $0x4, s7;
	s12 =	sor.u32 $0x5, s7;
	s13 =	sor.u32 $0x6, s7  }
.Ltmp0:
0xe: {  	s15 =	sor.u32 $0x3, s7;
	s25 =	sadd.s32 s1, s8;
	(pc) =	sbr.rel .LBB2_1-.Ltmp0, $4  }
0xf: {  	s24 =	simm.s32 $0x9C40;
	s0 =	smax.u32 s0, $0x1;
	[dreg:$0x5] =	wrdreg s25  }
0x10: {  	s26 =	sadd.s32 $0x32, s25;
	s2 =	sadd.s32 $0x64, s25;
	[dreg:$0x8] =	wrdreg s0  }
0x11: {  	s25 =	simm.s32 $0x1;
	s0 =	simm.s32 $0x16440;
	[dreg:$0x6] =	wrdreg s26  }
0x12: {  	[dreg:$0x7] =	wrdreg s2;
	s26 =	simm.s32 $0xB;
	s2 =	simm.s32 $0x3  }
.LBB2_12:
0x13: {  	s8 =	simm.s32 $0x7  }
0x14: {  	_ =	swait.ge [sflag:s8], $0x6400  }
0x15: {  	[sflag:s8] =	ssyncset.done $0x0  }
0x16: {  	s10 =	simm.s32 $0x8;
	[sflag:s8] =	ssyncadd.s32 $0xFFFF9C00  }
0x17: {  	_ =	swait.ge [sflag:s10], $0x6400  }
0x18: {  	s14 =	rddreg [dreg:$0x9]  }
0x19: {  	s22 =	rddreg [dreg:$0x8];
	s14 =	sadd.s32 $0x1, s14  }
0x1a: {  	p0 =	sne.s32 s14, s22  }
.Ltmp1:
0x1b: {  	_ = 	snop;
	(pc) =	sbr.rel @!p0 .LBB2_13-.Ltmp1, $3  }
0x1c: {  	_ =	sdelay $0x1  }
0x1d: {  	[sflag:s10] =	ssyncset.done $0x0  }
0x1e: {  	[sflag:s10] =	ssyncadd.s32 $0xFFFF9C00  }
.LBB2_1:
0x1f: {  	[dreg:$0x9] =	wrdreg s14  }
0x20: {  	s8 =	rddreg [dreg:$0x4];
	s20 =	simm.s32 $0xD  }
0x21: {  	[tilespmem:s4], [sflag:$0xD] =	stream.linear.gather [hbm4b:s8+s4], $0x3200, $0x38;
	[tilespmem:$0x1C840] =	vst v63  }
0x22: {  	_ =	swait.ge [sflag:s20], $0x3200  }
0x23: {  	[sflag:s20] =	ssyncset.done $0x0  }
0x24: {  	s10 =	simm.s32 $0x3200;
	s22 =	rddreg [dreg:$0x5];
	[sflag:s20] =	ssyncadd.s32 $0xFFFFCE00  }
0x25: {  	[tilespmem:s10], [sflag:$0x9] =	stream.linear.gather [hbm4b:s22+s4], $0x190, $0x38;
	[tilespmem:$0x1C840] =	vst v63  }
0x26: {  	s16 =	simm.s32 $0x3390;
	s14 =	rddreg [dreg:$0x6]  }
0x27: {  	[tilespmem:s16], [sflag:$0xA] =	stream.linear.gather [hbm4b:s14+s4], $0x190, $0x38;
	[tilespmem:$0x1C840] =	vst v63  }
0x28: {  	s18 =	rddreg [dreg:$0x7];
	s20 =	simm.s32 $0x9  }
0x29: {  	[tilespmem:s19], [sflag:$0xB] =	stream.linear.gather [hbm4b:s18+s4], $0x190, $0x38;
	[tilespmem:$0x1C840] =	vst v63  }
0x2a: {  	_ =	swait.ge [sflag:s20], $0x190  }
0x2b: {  	[sflag:s20] =	ssyncset.done $0x0  }
0x2c: {  	s22 =	simm.s32 $0x3840;
	[sflag:s20] =	ssyncadd.s32 $0xFFFFFE70  }
0x2d: {  	[tilespmem:s22], [sflag:$0x1] =	stream.indirect.gather [hbm4b:s5+s21], $0x40, s10, s21, $0xb8;
	[tilespmem:$0x1C840] =	vst v63  }
0x2e: {  	_ =	swait.ge [sflag:s23], $0x190  }
0x2f: {  	[sflag:s23] =	ssyncset.done $0x0  }
0x30: {  	[sflag:s23] =	ssyncadd.s32 $0xFFFFFE70  }
0x31: {  	[tilespmem:s24], [sflag:$0x2] =	stream.indirect.gather [hbm4b:s5+s21], $0x40, s16, s21, $0xb8;
	[tilespmem:$0x1C840] =	vst v63  }
0x32: {  	s16 =	simm.s32 $0x0  }
.LBB2_2:
0x33: {  	_ =	swait.ge [sflag:s25], $0x6400  }
0x34: {  	[sflag:s25] =	ssyncset.done $0x0  }
0x35: {  	s10 =	simm.s32 $0x0;
	[sflag:s25] =	ssyncadd.s32 $0xFFFF9C00  }
0x36: {  	v0 =	vld [tilespmem:s10+$0x1F0]  }
0x37: {  	v1 =	vld [tilespmem:s10+$0x0]  }
0x38: {  	v2 =	vld [tilespmem:s10+$0x10]  }
0x39: {  	v3 =	vld [tilespmem:s10+$0x20]  }
0x3a: {  	v4 =	vld [tilespmem:s10+$0x30]  }
0x3b: {  	v5 =	vld [tilespmem:s10+$0x40]  }
0x3c: {  	v6 =	vld [tilespmem:s10+$0x50]  }
0x3d: {  	v7 =	vld [tilespmem:s10+$0x60]  }
0x3e: {  	v8 =	vld [tilespmem:s10+$0x70]  }
0x3f: {  	v9 =	vld [tilespmem:s10+$0x80]  }
0x40: {  	v10 =	vld [tilespmem:s10+$0x90]  }
0x41: {  	v11 =	vld [tilespmem:s10+$0xA0]  }
0x42: {  	v12 =	vld [tilespmem:s10+$0xB0]  }
0x43: {  	v13 =	vld [tilespmem:s10+$0xC0]  }
0x44: {  	v14 =	vld [tilespmem:s10+$0xD0]  }
0x45: {  	v15 =	vld [tilespmem:s10+$0xE0]  }
0x46: {  	v16 =	vld [tilespmem:s10+$0xF0]  }
0x47: {  	v17 =	vld [tilespmem:s10+$0x100]  }
0x48: {  	v18 =	vld [tilespmem:s10+$0x110]  }
0x49: {  	v19 =	vld [tilespmem:s10+$0x120]  }
0x4a: {  	v20 =	vld [tilespmem:s10+$0x130]  }
0x4b: {  	v21 =	vld [tilespmem:s10+$0x140]  }
0x4c: {  	v22 =	vld [tilespmem:s10+$0x150]  }
0x4d: {  	v23 =	vld [tilespmem:s10+$0x160]  }
0x4e: {  	v24 =	vld [tilespmem:s10+$0x170]  }
0x4f: {  	v25 =	vld [tilespmem:s10+$0x180]  }
0x50: {  	v26 =	vld [tilespmem:s10+$0x190]  }
0x51: {  	v27 =	vld [tilespmem:s10+$0x1A0]  }
0x52: {  	v28 =	vld [tilespmem:s10+$0x1B0]  }
0x53: {  	v29 =	vld [tilespmem:s10+$0x1C0]  }
0x54: {  	v30 =	vld [tilespmem:s10+$0x1D0]  }
0x55: {  	v31 =	vld [tilespmem:s10+$0x1E0]  }
0x56: {  	[tilespmem:s10+$0x6C30] =	vst.add.f32.msk $0xffff, v0  }
0x57: {  	[tilespmem:s10+$0x3840] =	vst.add.f32.msk $0xffff, v1  }
0x58: {  	[tilespmem:s10+$0x6A40] =	vst.add.f32.msk $0xffff, v1  }
0x59: {  	[tilespmem:s10+$0x3850] =	vst.add.f32.msk $0xffff, v2  }
0x5a: {  	[tilespmem:s10+$0x6A50] =	vst.add.f32.msk $0xffff, v2  }
0x5b: {  	[tilespmem:s10+$0x3860] =	vst.add.f32.msk $0xffff, v3  }
0x5c: {  	[tilespmem:s10+$0x6A60] =	vst.add.f32.msk $0xffff, v3  }
0x5d: {  	[tilespmem:s10+$0x3870] =	vst.add.f32.msk $0xffff, v4  }
0x5e: {  	[tilespmem:s10+$0x6A70] =	vst.add.f32.msk $0xffff, v4  }
0x5f: {  	[tilespmem:s10+$0x3880] =	vst.add.f32.msk $0xffff, v5  }
0x60: {  	[tilespmem:s10+$0x6A80] =	vst.add.f32.msk $0xffff, v5  }
0x61: {  	[tilespmem:s10+$0x3890] =	vst.add.f32.msk $0xffff, v6  }
0x62: {  	[tilespmem:s10+$0x6A90] =	vst.add.f32.msk $0xffff, v6  }
0x63: {  	[tilespmem:s10+$0x38A0] =	vst.add.f32.msk $0xffff, v7  }
0x64: {  	[tilespmem:s10+$0x6AA0] =	vst.add.f32.msk $0xffff, v7  }
0x65: {  	[tilespmem:s10+$0x38B0] =	vst.add.f32.msk $0xffff, v8  }
0x66: {  	[tilespmem:s10+$0x6AB0] =	vst.add.f32.msk $0xffff, v8  }
0x67: {  	[tilespmem:s10+$0x38C0] =	vst.add.f32.msk $0xffff, v9  }
0x68: {  	[tilespmem:s10+$0x6AC0] =	vst.add.f32.msk $0xffff, v9  }
0x69: {  	[tilespmem:s10+$0x38D0] =	vst.add.f32.msk $0xffff, v10  }
0x6a: {  	[tilespmem:s10+$0x6AD0] =	vst.add.f32.msk $0xffff, v10  }
0x6b: {  	[tilespmem:s10+$0x38E0] =	vst.add.f32.msk $0xffff, v11  }
0x6c: {  	[tilespmem:s10+$0x6AE0] =	vst.add.f32.msk $0xffff, v11  }
0x6d: {  	[tilespmem:s10+$0x38F0] =	vst.add.f32.msk $0xffff, v12  }
0x6e: {  	[tilespmem:s10+$0x6AF0] =	vst.add.f32.msk $0xffff, v12  }
0x6f: {  	[tilespmem:s10+$0x3900] =	vst.add.f32.msk $0xffff, v13  }
0x70: {  	[tilespmem:s10+$0x6B00] =	vst.add.f32.msk $0xffff, v13  }
0x71: {  	[tilespmem:s10+$0x3910] =	vst.add.f32.msk $0xffff, v14  }
0x72: {  	[tilespmem:s10+$0x6B10] =	vst.add.f32.msk $0xffff, v14  }
0x73: {  	[tilespmem:s10+$0x3920] =	vst.add.f32.msk $0xffff, v15  }
0x74: {  	[tilespmem:s10+$0x6B20] =	vst.add.f32.msk $0xffff, v15  }
0x75: {  	[tilespmem:s10+$0x3930] =	vst.add.f32.msk $0xffff, v16  }
0x76: {  	[tilespmem:s10+$0x6B30] =	vst.add.f32.msk $0xffff, v16  }
0x77: {  	[tilespmem:s10+$0x3940] =	vst.add.f32.msk $0xffff, v17  }
0x78: {  	[tilespmem:s10+$0x6B40] =	vst.add.f32.msk $0xffff, v17  }
0x79: {  	[tilespmem:s10+$0x3950] =	vst.add.f32.msk $0xffff, v18  }
0x7a: {  	[tilespmem:s10+$0x6B50] =	vst.add.f32.msk $0xffff, v18  }
0x7b: {  	[tilespmem:s10+$0x3960] =	vst.add.f32.msk $0xffff, v19  }
0x7c: {  	[tilespmem:s10+$0x6B60] =	vst.add.f32.msk $0xffff, v19  }
0x7d: {  	[tilespmem:s10+$0x3970] =	vst.add.f32.msk $0xffff, v20  }
0x7e: {  	[tilespmem:s10+$0x6B70] =	vst.add.f32.msk $0xffff, v20  }
0x7f: {  	[tilespmem:s10+$0x3980] =	vst.add.f32.msk $0xffff, v21  }
0x80: {  	[tilespmem:s10+$0x6B80] =	vst.add.f32.msk $0xffff, v21  }
0x81: {  	[tilespmem:s10+$0x3990] =	vst.add.f32.msk $0xffff, v22  }
0x82: {  	[tilespmem:s10+$0x6B90] =	vst.add.f32.msk $0xffff, v22  }
0x83: {  	[tilespmem:s10+$0x39A0] =	vst.add.f32.msk $0xffff, v23  }
0x84: {  	[tilespmem:s10+$0x6BA0] =	vst.add.f32.msk $0xffff, v23  }
0x85: {  	[tilespmem:s10+$0x39B0] =	vst.add.f32.msk $0xffff, v24  }
0x86: {  	[tilespmem:s10+$0x6BB0] =	vst.add.f32.msk $0xffff, v24  }
0x87: {  	[tilespmem:s10+$0x39C0] =	vst.add.f32.msk $0xffff, v25  }
0x88: {  	[tilespmem:s10+$0x6BC0] =	vst.add.f32.msk $0xffff, v25  }
0x89: {  	[tilespmem:s10+$0x39D0] =	vst.add.f32.msk $0xffff, v26  }
0x8a: {  	[tilespmem:s10+$0x6BD0] =	vst.add.f32.msk $0xffff, v26  }
0x8b: {  	[tilespmem:s10+$0x39E0] =	vst.add.f32.msk $0xffff, v27  }
0x8c: {  	[tilespmem:s10+$0x6BE0] =	vst.add.f32.msk $0xffff, v27  }
0x8d: {  	[tilespmem:s10+$0x39F0] =	vst.add.f32.msk $0xffff, v28  }
0x8e: {  	[tilespmem:s10+$0x6BF0] =	vst.add.f32.msk $0xffff, v28  }
0x8f: {  	[tilespmem:s10+$0x3A00] =	vst.add.f32.msk $0xffff, v29  }
0x90: {  	[tilespmem:s10+$0x6C00] =	vst.add.f32.msk $0xffff, v29  }
0x91: {  	[tilespmem:s10+$0x3A10] =	vst.add.f32.msk $0xffff, v30  }
0x92: {  	[tilespmem:s10+$0x6C10] =	vst.add.f32.msk $0xffff, v30  }
0x93: {  	[tilespmem:s10+$0x3A20] =	vst.add.f32.msk $0xffff, v31  }
0x94: {  	s8 =	simm.s32 $0x0;
	s14 =	simm.s32 $0x800;
	[tilespmem:s10+$0x6C20] =	vst.add.f32.msk $0xffff, v31  }
.LBB2_3:
0x95: {  	s8 =	sadd.s32 $0x8, s8;
	[tilespmem:s10+$0x3A30] =	vst.add.f32.msk $0xffff, v0;
	s10 =	sshra.s32 s14, $0x2  }
0x96: {  	v0 =	vld [tilespmem:s10+$0x1F0];
	p0 =	slt.u32 s8, $0xC0  }
0x97: {  	v1 =	vld [tilespmem:s10+$0x0]  }
0x98: {  	v2 =	vld [tilespmem:s10+$0x10]  }
0x99: {  	v3 =	vld [tilespmem:s10+$0x20]  }
0x9a: {  	v4 =	vld [tilespmem:s10+$0x30]  }
0x9b: {  	[tilespmem:s10+$0x6C30] =	vst.add.f32.msk $0xffff, v0  }
0x9c: {  	v5 =	vld [tilespmem:s10+$0x40]  }
0x9d: {  	v6 =	vld [tilespmem:s10+$0x50]  }
0x9e: {  	v7 =	vld [tilespmem:s10+$0x60]  }
0x9f: {  	v8 =	vld [tilespmem:s10+$0x70]  }
0xa0: {  	v9 =	vld [tilespmem:s10+$0x80]  }
0xa1: {  	v10 =	vld [tilespmem:s10+$0x90]  }
0xa2: {  	v11 =	vld [tilespmem:s10+$0xA0]  }
0xa3: {  	v12 =	vld [tilespmem:s10+$0xB0]  }
0xa4: {  	v13 =	vld [tilespmem:s10+$0xC0]  }
0xa5: {  	v14 =	vld [tilespmem:s10+$0xD0]  }
0xa6: {  	v15 =	vld [tilespmem:s10+$0xE0]  }
0xa7: {  	v16 =	vld [tilespmem:s10+$0xF0]  }
0xa8: {  	v17 =	vld [tilespmem:s10+$0x100]  }
0xa9: {  	v18 =	vld [tilespmem:s10+$0x110]  }
0xaa: {  	v19 =	vld [tilespmem:s10+$0x120]  }
0xab: {  	v20 =	vld [tilespmem:s10+$0x130]  }
0xac: {  	v21 =	vld [tilespmem:s10+$0x140]  }
0xad: {  	v22 =	vld [tilespmem:s10+$0x150]  }
0xae: {  	v23 =	vld [tilespmem:s10+$0x160]  }
0xaf: {  	v24 =	vld [tilespmem:s10+$0x170]  }
0xb0: {  	v25 =	vld [tilespmem:s10+$0x180]  }
0xb1: {  	v26 =	vld [tilespmem:s10+$0x190]  }
0xb2: {  	v27 =	vld [tilespmem:s10+$0x1A0]  }
0xb3: {  	v28 =	vld [tilespmem:s10+$0x1B0]  }
0xb4: {  	v29 =	vld [tilespmem:s10+$0x1C0]  }
0xb5: {  	v30 =	vld [tilespmem:s10+$0x1D0]  }
0xb6: {  	v31 =	vld [tilespmem:s10+$0x1E0]  }
0xb7: {  	[tilespmem:s10+$0x3840] =	vst.add.f32.msk $0xffff, v1  }
0xb8: {  	[tilespmem:s10+$0x6A40] =	vst.add.f32.msk $0xffff, v1  }
0xb9: {  	[tilespmem:s10+$0x3850] =	vst.add.f32.msk $0xffff, v2  }
0xba: {  	[tilespmem:s10+$0x6A50] =	vst.add.f32.msk $0xffff, v2  }
0xbb: {  	[tilespmem:s10+$0x3860] =	vst.add.f32.msk $0xffff, v3  }
0xbc: {  	[tilespmem:s10+$0x6A60] =	vst.add.f32.msk $0xffff, v3  }
0xbd: {  	[tilespmem:s10+$0x3870] =	vst.add.f32.msk $0xffff, v4  }
0xbe: {  	[tilespmem:s10+$0x6A70] =	vst.add.f32.msk $0xffff, v4  }
0xbf: {  	[tilespmem:s10+$0x3880] =	vst.add.f32.msk $0xffff, v5  }
0xc0: {  	[tilespmem:s10+$0x6A80] =	vst.add.f32.msk $0xffff, v5  }
0xc1: {  	[tilespmem:s10+$0x3890] =	vst.add.f32.msk $0xffff, v6  }
0xc2: {  	[tilespmem:s10+$0x6A90] =	vst.add.f32.msk $0xffff, v6  }
0xc3: {  	[tilespmem:s10+$0x38A0] =	vst.add.f32.msk $0xffff, v7  }
0xc4: {  	[tilespmem:s10+$0x6AA0] =	vst.add.f32.msk $0xffff, v7  }
0xc5: {  	[tilespmem:s10+$0x38B0] =	vst.add.f32.msk $0xffff, v8  }
0xc6: {  	[tilespmem:s10+$0x6AB0] =	vst.add.f32.msk $0xffff, v8  }
0xc7: {  	[tilespmem:s10+$0x38C0] =	vst.add.f32.msk $0xffff, v9  }
0xc8: {  	[tilespmem:s10+$0x6AC0] =	vst.add.f32.msk $0xffff, v9  }
0xc9: {  	[tilespmem:s10+$0x38D0] =	vst.add.f32.msk $0xffff, v10  }
0xca: {  	[tilespmem:s10+$0x6AD0] =	vst.add.f32.msk $0xffff, v10  }
0xcb: {  	[tilespmem:s10+$0x38E0] =	vst.add.f32.msk $0xffff, v11  }
0xcc: {  	[tilespmem:s10+$0x6AE0] =	vst.add.f32.msk $0xffff, v11  }
0xcd: {  	[tilespmem:s10+$0x38F0] =	vst.add.f32.msk $0xffff, v12  }
0xce: {  	[tilespmem:s10+$0x6AF0] =	vst.add.f32.msk $0xffff, v12  }
0xcf: {  	[tilespmem:s10+$0x3900] =	vst.add.f32.msk $0xffff, v13  }
0xd0: {  	[tilespmem:s10+$0x6B00] =	vst.add.f32.msk $0xffff, v13  }
0xd1: {  	[tilespmem:s10+$0x3910] =	vst.add.f32.msk $0xffff, v14  }
0xd2: {  	[tilespmem:s10+$0x6B10] =	vst.add.f32.msk $0xffff, v14  }
0xd3: {  	[tilespmem:s10+$0x3920] =	vst.add.f32.msk $0xffff, v15  }
0xd4: {  	[tilespmem:s10+$0x6B20] =	vst.add.f32.msk $0xffff, v15  }
0xd5: {  	[tilespmem:s10+$0x3930] =	vst.add.f32.msk $0xffff, v16  }
0xd6: {  	[tilespmem:s10+$0x6B30] =	vst.add.f32.msk $0xffff, v16  }
0xd7: {  	[tilespmem:s10+$0x3940] =	vst.add.f32.msk $0xffff, v17  }
0xd8: {  	[tilespmem:s10+$0x6B40] =	vst.add.f32.msk $0xffff, v17  }
0xd9: {  	[tilespmem:s10+$0x3950] =	vst.add.f32.msk $0xffff, v18  }
0xda: {  	[tilespmem:s10+$0x6B50] =	vst.add.f32.msk $0xffff, v18  }
0xdb: {  	[tilespmem:s10+$0x3960] =	vst.add.f32.msk $0xffff, v19  }
0xdc: {  	[tilespmem:s10+$0x6B60] =	vst.add.f32.msk $0xffff, v19  }
0xdd: {  	[tilespmem:s10+$0x3970] =	vst.add.f32.msk $0xffff, v20  }
0xde: {  	[tilespmem:s10+$0x6B70] =	vst.add.f32.msk $0xffff, v20  }
0xdf: {  	[tilespmem:s10+$0x3980] =	vst.add.f32.msk $0xffff, v21  }
0xe0: {  	[tilespmem:s10+$0x6B80] =	vst.add.f32.msk $0xffff, v21  }
0xe1: {  	[tilespmem:s10+$0x3990] =	vst.add.f32.msk $0xffff, v22  }
0xe2: {  	[tilespmem:s10+$0x6B90] =	vst.add.f32.msk $0xffff, v22  }
0xe3: {  	[tilespmem:s10+$0x39A0] =	vst.add.f32.msk $0xffff, v23  }
0xe4: {  	[tilespmem:s10+$0x6BA0] =	vst.add.f32.msk $0xffff, v23  }
0xe5: {  	[tilespmem:s10+$0x39B0] =	vst.add.f32.msk $0xffff, v24  }
0xe6: {  	[tilespmem:s10+$0x6BB0] =	vst.add.f32.msk $0xffff, v24  }
0xe7: {  	[tilespmem:s10+$0x39C0] =	vst.add.f32.msk $0xffff, v25  }
0xe8: {  	[tilespmem:s10+$0x6BC0] =	vst.add.f32.msk $0xffff, v25  }
0xe9: {  	[tilespmem:s10+$0x39D0] =	vst.add.f32.msk $0xffff, v26  }
0xea: {  	[tilespmem:s10+$0x6BD0] =	vst.add.f32.msk $0xffff, v26  }
0xeb: {  	[tilespmem:s10+$0x39E0] =	vst.add.f32.msk $0xffff, v27  }
0xec: {  	[tilespmem:s10+$0x6BE0] =	vst.add.f32.msk $0xffff, v27  }
0xed: {  	[tilespmem:s10+$0x39F0] =	vst.add.f32.msk $0xffff, v28  }
0xee: {  	[tilespmem:s10+$0x6BF0] =	vst.add.f32.msk $0xffff, v28  }
0xef: {  	[tilespmem:s10+$0x3A00] =	vst.add.f32.msk $0xffff, v29  }
.Ltmp2:
0xf0: {  	[tilespmem:s10+$0x6C00] =	vst.add.f32.msk $0xffff, v29;
	(pc) =	sbr.rel @p0 .LBB2_3-.Ltmp2, $4  }
0xf1: {  	[tilespmem:s10+$0x3A10] =	vst.add.f32.msk $0xffff, v30  }
0xf2: {  	[tilespmem:s10+$0x6C10] =	vst.add.f32.msk $0xffff, v30  }
0xf3: {  	[tilespmem:s10+$0x3A20] =	vst.add.f32.msk $0xffff, v31  }
0xf4: {  	s14 =	sadd.s32 $0x800, s14;
	[tilespmem:s10+$0x6C20] =	vst.add.f32.msk $0xffff, v31  }
0xf5: {  	s20 =	sshll.u32 s16, $0x2  }
0xf6: {  	s8 =	sadd.s32 s7, s20  }
0xf7: {  	s8 =	smul.u32 $0xC80, s8;
	_ =	sdelay $0x1  }
0xf8: {  	[tilespmem:s10+$0x3A30] =	vst.add.f32.msk $0xffff, v0;
	s18 =	simm.s32 $0x3840;
	p0 =	seq.s32 s16, $0x0;
	s8 =	sadd.s32 s3, s8  }
0xf9: {  	[hbm4b:s8+s4] =	stream.linear.scatter [tilespmem:s18], [sflag:$0x5], $0x6400, $0x38;
	[tilespmem:$0x1C840] =	vst v63  }
0xfa: {  	s8 =	simm.s32 @!p0 $0x7  }
0xfb: {  	_ =	swait.ge @!p0 [sflag:s8], $0x6400  }
0xfc: {  	[sflag:s8] =	ssyncset.done @!p0 $0x0  }
0xfd: {  	[sflag:s8] =	ssyncadd.s32 @!p0 $0xFFFF9C00  }
0xfe: {  	_ =	swait.ge [sflag:s26], $0x190  }
0xff: {  	s10 =	sor.u32 s15, s20;
	[sflag:s26] =	ssyncset.done $0x0  }
0x100: {  	s22 =	smul.u32 $0x32, s10;
	[sflag:s26] =	ssyncadd.s32 $0xFFFFFE70  }
0x101: {  	[tilespmem:s28], [sflag:$0x3] =	stream.indirect.gather [hbm4b:s5+s21], $0x40, s19, s21, $0xb8;
	[tilespmem:$0x1C840] =	vst v63  }
0x102: {  	s14 =	simm.s32 $0x0;
	s8 =	sadd.s32 s1, s22  }
0x103: {  	[tilespmem:s29], [sflag:$0xC] =	stream.linear.gather [hbm4b:s8+s14], $0x190, $0x38;
	[tilespmem:$0x1C840] =	vst v63  }
0x104: {  	_ =	swait.ge [sflag:s30], $0x6400  }
0x105: {  	[sflag:s30] =	ssyncset.done $0x0  }
0x106: {  	s14 =	simm.s32 $0x0;
	[sflag:s30] =	ssyncadd.s32 $0xFFFF9C00  }
0x107: {  	v0 =	vld [tilespmem:s14+$0x1F0]  }
0x108: {  	v1 =	vld [tilespmem:s14+$0x0]  }
0x109: {  	v2 =	vld [tilespmem:s14+$0x10]  }
0x10a: {  	v3 =	vld [tilespmem:s14+$0x20]  }
0x10b: {  	v4 =	vld [tilespmem:s14+$0x30]  }
0x10c: {  	v5 =	vld [tilespmem:s14+$0x40]  }
0x10d: {  	v6 =	vld [tilespmem:s14+$0x50]  }
0x10e: {  	v7 =	vld [tilespmem:s14+$0x60]  }
0x10f: {  	v8 =	vld [tilespmem:s14+$0x70]  }
0x110: {  	v9 =	vld [tilespmem:s14+$0x80]  }
0x111: {  	v10 =	vld [tilespmem:s14+$0x90]  }
0x112: {  	v11 =	vld [tilespmem:s14+$0xA0]  }
0x113: {  	v12 =	vld [tilespmem:s14+$0xB0]  }
0x114: {  	v13 =	vld [tilespmem:s14+$0xC0]  }
0x115: {  	v14 =	vld [tilespmem:s14+$0xD0]  }
0x116: {  	v15 =	vld [tilespmem:s14+$0xE0]  }
0x117: {  	v16 =	vld [tilespmem:s14+$0xF0]  }
0x118: {  	v17 =	vld [tilespmem:s14+$0x100]  }
0x119: {  	v18 =	vld [tilespmem:s14+$0x110]  }
0x11a: {  	v19 =	vld [tilespmem:s14+$0x120]  }
0x11b: {  	v20 =	vld [tilespmem:s14+$0x130]  }
0x11c: {  	v21 =	vld [tilespmem:s14+$0x140]  }
0x11d: {  	v22 =	vld [tilespmem:s14+$0x150]  }
0x11e: {  	v23 =	vld [tilespmem:s14+$0x160]  }
0x11f: {  	v24 =	vld [tilespmem:s14+$0x170]  }
0x120: {  	v25 =	vld [tilespmem:s14+$0x180]  }
0x121: {  	v26 =	vld [tilespmem:s14+$0x190]  }
0x122: {  	v27 =	vld [tilespmem:s14+$0x1A0]  }
0x123: {  	v28 =	vld [tilespmem:s14+$0x1B0]  }
0x124: {  	v29 =	vld [tilespmem:s14+$0x1C0]  }
0x125: {  	v30 =	vld [tilespmem:s14+$0x1D0]  }
0x126: {  	v31 =	vld [tilespmem:s14+$0x1E0]  }
0x127: {  	[tilespmem:s14+$0xD030] =	vst.add.f32.msk $0xffff, v0  }
0x128: {  	[tilespmem:s14+$0x9C40] =	vst.add.f32.msk $0xffff, v1  }
0x129: {  	[tilespmem:s14+$0xCE40] =	vst.add.f32.msk $0xffff, v1  }
0x12a: {  	[tilespmem:s14+$0x9C50] =	vst.add.f32.msk $0xffff, v2  }
0x12b: {  	[tilespmem:s14+$0xCE50] =	vst.add.f32.msk $0xffff, v2  }
0x12c: {  	[tilespmem:s14+$0x9C60] =	vst.add.f32.msk $0xffff, v3  }
0x12d: {  	[tilespmem:s14+$0xCE60] =	vst.add.f32.msk $0xffff, v3  }
0x12e: {  	[tilespmem:s14+$0x9C70] =	vst.add.f32.msk $0xffff, v4  }
0x12f: {  	[tilespmem:s14+$0xCE70] =	vst.add.f32.msk $0xffff, v4  }
0x130: {  	[tilespmem:s14+$0x9C80] =	vst.add.f32.msk $0xffff, v5  }
0x131: {  	[tilespmem:s14+$0xCE80] =	vst.add.f32.msk $0xffff, v5  }
0x132: {  	[tilespmem:s14+$0x9C90] =	vst.add.f32.msk $0xffff, v6  }
0x133: {  	[tilespmem:s14+$0xCE90] =	vst.add.f32.msk $0xffff, v6  }
0x134: {  	[tilespmem:s14+$0x9CA0] =	vst.add.f32.msk $0xffff, v7  }
0x135: {  	[tilespmem:s14+$0xCEA0] =	vst.add.f32.msk $0xffff, v7  }
0x136: {  	[tilespmem:s14+$0x9CB0] =	vst.add.f32.msk $0xffff, v8  }
0x137: {  	[tilespmem:s14+$0xCEB0] =	vst.add.f32.msk $0xffff, v8  }
0x138: {  	[tilespmem:s14+$0x9CC0] =	vst.add.f32.msk $0xffff, v9  }
0x139: {  	[tilespmem:s14+$0xCEC0] =	vst.add.f32.msk $0xffff, v9  }
0x13a: {  	[tilespmem:s14+$0x9CD0] =	vst.add.f32.msk $0xffff, v10  }
0x13b: {  	[tilespmem:s14+$0xCED0] =	vst.add.f32.msk $0xffff, v10  }
0x13c: {  	[tilespmem:s14+$0x9CE0] =	vst.add.f32.msk $0xffff, v11  }
0x13d: {  	[tilespmem:s14+$0xCEE0] =	vst.add.f32.msk $0xffff, v11  }
0x13e: {  	[tilespmem:s14+$0x9CF0] =	vst.add.f32.msk $0xffff, v12  }
0x13f: {  	[tilespmem:s14+$0xCEF0] =	vst.add.f32.msk $0xffff, v12  }
0x140: {  	[tilespmem:s14+$0x9D00] =	vst.add.f32.msk $0xffff, v13  }
0x141: {  	[tilespmem:s14+$0xCF00] =	vst.add.f32.msk $0xffff, v13  }
0x142: {  	[tilespmem:s14+$0x9D10] =	vst.add.f32.msk $0xffff, v14  }
0x143: {  	[tilespmem:s14+$0xCF10] =	vst.add.f32.msk $0xffff, v14  }
0x144: {  	[tilespmem:s14+$0x9D20] =	vst.add.f32.msk $0xffff, v15  }
0x145: {  	[tilespmem:s14+$0xCF20] =	vst.add.f32.msk $0xffff, v15  }
0x146: {  	[tilespmem:s14+$0x9D30] =	vst.add.f32.msk $0xffff, v16  }
0x147: {  	[tilespmem:s14+$0xCF30] =	vst.add.f32.msk $0xffff, v16  }
0x148: {  	[tilespmem:s14+$0x9D40] =	vst.add.f32.msk $0xffff, v17  }
0x149: {  	[tilespmem:s14+$0xCF40] =	vst.add.f32.msk $0xffff, v17  }
0x14a: {  	[tilespmem:s14+$0x9D50] =	vst.add.f32.msk $0xffff, v18  }
0x14b: {  	[tilespmem:s14+$0xCF50] =	vst.add.f32.msk $0xffff, v18  }
0x14c: {  	[tilespmem:s14+$0x9D60] =	vst.add.f32.msk $0xffff, v19  }
0x14d: {  	[tilespmem:s14+$0xCF60] =	vst.add.f32.msk $0xffff, v19  }
0x14e: {  	[tilespmem:s14+$0x9D70] =	vst.add.f32.msk $0xffff, v20  }
0x14f: {  	[tilespmem:s14+$0xCF70] =	vst.add.f32.msk $0xffff, v20  }
0x150: {  	[tilespmem:s14+$0x9D80] =	vst.add.f32.msk $0xffff, v21  }
0x151: {  	[tilespmem:s14+$0xCF80] =	vst.add.f32.msk $0xffff, v21  }
0x152: {  	[tilespmem:s14+$0x9D90] =	vst.add.f32.msk $0xffff, v22  }
0x153: {  	[tilespmem:s14+$0xCF90] =	vst.add.f32.msk $0xffff, v22  }
0x154: {  	[tilespmem:s14+$0x9DA0] =	vst.add.f32.msk $0xffff, v23  }
0x155: {  	[tilespmem:s14+$0xCFA0] =	vst.add.f32.msk $0xffff, v23  }
0x156: {  	[tilespmem:s14+$0x9DB0] =	vst.add.f32.msk $0xffff, v24  }
0x157: {  	[tilespmem:s14+$0xCFB0] =	vst.add.f32.msk $0xffff, v24  }
0x158: {  	[tilespmem:s14+$0x9DC0] =	vst.add.f32.msk $0xffff, v25  }
0x159: {  	[tilespmem:s14+$0xCFC0] =	vst.add.f32.msk $0xffff, v25  }
0x15a: {  	[tilespmem:s14+$0x9DD0] =	vst.add.f32.msk $0xffff, v26  }
0x15b: {  	[tilespmem:s14+$0xCFD0] =	vst.add.f32.msk $0xffff, v26  }
0x15c: {  	[tilespmem:s14+$0x9DE0] =	vst.add.f32.msk $0xffff, v27  }
0x15d: {  	[tilespmem:s14+$0xCFE0] =	vst.add.f32.msk $0xffff, v27  }
0x15e: {  	[tilespmem:s14+$0x9DF0] =	vst.add.f32.msk $0xffff, v28  }
0x15f: {  	[tilespmem:s14+$0xCFF0] =	vst.add.f32.msk $0xffff, v28  }
0x160: {  	[tilespmem:s14+$0x9E00] =	vst.add.f32.msk $0xffff, v29  }
0x161: {  	[tilespmem:s14+$0xD000] =	vst.add.f32.msk $0xffff, v29  }
0x162: {  	[tilespmem:s14+$0x9E10] =	vst.add.f32.msk $0xffff, v30  }
0x163: {  	[tilespmem:s14+$0xD010] =	vst.add.f32.msk $0xffff, v30  }
0x164: {  	[tilespmem:s14+$0x9E20] =	vst.add.f32.msk $0xffff, v31  }
0x165: {  	s18 =	simm.s32 $0x800;
	s8 =	simm.s32 $0x0;
	[tilespmem:s14+$0xD020] =	vst.add.f32.msk $0xffff, v31  }
.LBB2_5:
0x166: {  	s8 =	sadd.s32 $0x8, s8;
	[tilespmem:s14+$0x9E30] =	vst.add.f32.msk $0xffff, v0;
	s14 =	sshra.s32 s18, $0x2  }
0x167: {  	v0 =	vld [tilespmem:s14+$0x1F0];
	p1 =	slt.u32 s8, $0xC0  }
0x168: {  	v1 =	vld [tilespmem:s14+$0x0]  }
0x169: {  	v2 =	vld [tilespmem:s14+$0x10]  }
0x16a: {  	v3 =	vld [tilespmem:s14+$0x20]  }
0x16b: {  	v4 =	vld [tilespmem:s14+$0x30]  }
0x16c: {  	[tilespmem:s14+$0xD030] =	vst.add.f32.msk $0xffff, v0  }
0x16d: {  	v5 =	vld [tilespmem:s14+$0x40]  }
0x16e: {  	v6 =	vld [tilespmem:s14+$0x50]  }
0x16f: {  	v7 =	vld [tilespmem:s14+$0x60]  }
0x170: {  	v8 =	vld [tilespmem:s14+$0x70]  }
0x171: {  	v9 =	vld [tilespmem:s14+$0x80]  }
0x172: {  	v10 =	vld [tilespmem:s14+$0x90]  }
0x173: {  	v11 =	vld [tilespmem:s14+$0xA0]  }
0x174: {  	v12 =	vld [tilespmem:s14+$0xB0]  }
0x175: {  	v13 =	vld [tilespmem:s14+$0xC0]  }
0x176: {  	v14 =	vld [tilespmem:s14+$0xD0]  }
0x177: {  	v15 =	vld [tilespmem:s14+$0xE0]  }
0x178: {  	v16 =	vld [tilespmem:s14+$0xF0]  }
0x179: {  	v17 =	vld [tilespmem:s14+$0x100]  }
0x17a: {  	v18 =	vld [tilespmem:s14+$0x110]  }
0x17b: {  	v19 =	vld [tilespmem:s14+$0x120]  }
0x17c: {  	v20 =	vld [tilespmem:s14+$0x130]  }
0x17d: {  	v21 =	vld [tilespmem:s14+$0x140]  }
0x17e: {  	v22 =	vld [tilespmem:s14+$0x150]  }
0x17f: {  	v23 =	vld [tilespmem:s14+$0x160]  }
0x180: {  	v24 =	vld [tilespmem:s14+$0x170]  }
0x181: {  	v25 =	vld [tilespmem:s14+$0x180]  }
0x182: {  	v26 =	vld [tilespmem:s14+$0x190]  }
0x183: {  	v27 =	vld [tilespmem:s14+$0x1A0]  }
0x184: {  	v28 =	vld [tilespmem:s14+$0x1B0]  }
0x185: {  	v29 =	vld [tilespmem:s14+$0x1C0]  }
0x186: {  	v30 =	vld [tilespmem:s14+$0x1D0]  }
0x187: {  	v31 =	vld [tilespmem:s14+$0x1E0]  }
0x188: {  	[tilespmem:s14+$0x9C40] =	vst.add.f32.msk $0xffff, v1  }
0x189: {  	[tilespmem:s14+$0xCE40] =	vst.add.f32.msk $0xffff, v1  }
0x18a: {  	[tilespmem:s14+$0x9C50] =	vst.add.f32.msk $0xffff, v2  }
0x18b: {  	[tilespmem:s14+$0xCE50] =	vst.add.f32.msk $0xffff, v2  }
0x18c: {  	[tilespmem:s14+$0x9C60] =	vst.add.f32.msk $0xffff, v3  }
0x18d: {  	[tilespmem:s14+$0xCE60] =	vst.add.f32.msk $0xffff, v3  }
0x18e: {  	[tilespmem:s14+$0x9C70] =	vst.add.f32.msk $0xffff, v4  }
0x18f: {  	[tilespmem:s14+$0xCE70] =	vst.add.f32.msk $0xffff, v4  }
0x190: {  	[tilespmem:s14+$0x9C80] =	vst.add.f32.msk $0xffff, v5  }
0x191: {  	[tilespmem:s14+$0xCE80] =	vst.add.f32.msk $0xffff, v5  }
0x192: {  	[tilespmem:s14+$0x9C90] =	vst.add.f32.msk $0xffff, v6  }
0x193: {  	[tilespmem:s14+$0xCE90] =	vst.add.f32.msk $0xffff, v6  }
0x194: {  	[tilespmem:s14+$0x9CA0] =	vst.add.f32.msk $0xffff, v7  }
0x195: {  	[tilespmem:s14+$0xCEA0] =	vst.add.f32.msk $0xffff, v7  }
0x196: {  	[tilespmem:s14+$0x9CB0] =	vst.add.f32.msk $0xffff, v8  }
0x197: {  	[tilespmem:s14+$0xCEB0] =	vst.add.f32.msk $0xffff, v8  }
0x198: {  	[tilespmem:s14+$0x9CC0] =	vst.add.f32.msk $0xffff, v9  }
0x199: {  	[tilespmem:s14+$0xCEC0] =	vst.add.f32.msk $0xffff, v9  }
0x19a: {  	[tilespmem:s14+$0x9CD0] =	vst.add.f32.msk $0xffff, v10  }
0x19b: {  	[tilespmem:s14+$0xCED0] =	vst.add.f32.msk $0xffff, v10  }
0x19c: {  	[tilespmem:s14+$0x9CE0] =	vst.add.f32.msk $0xffff, v11  }
0x19d: {  	[tilespmem:s14+$0xCEE0] =	vst.add.f32.msk $0xffff, v11  }
0x19e: {  	[tilespmem:s14+$0x9CF0] =	vst.add.f32.msk $0xffff, v12  }
0x19f: {  	[tilespmem:s14+$0xCEF0] =	vst.add.f32.msk $0xffff, v12  }
0x1a0: {  	[tilespmem:s14+$0x9D00] =	vst.add.f32.msk $0xffff, v13  }
0x1a1: {  	[tilespmem:s14+$0xCF00] =	vst.add.f32.msk $0xffff, v13  }
0x1a2: {  	[tilespmem:s14+$0x9D10] =	vst.add.f32.msk $0xffff, v14  }
0x1a3: {  	[tilespmem:s14+$0xCF10] =	vst.add.f32.msk $0xffff, v14  }
0x1a4: {  	[tilespmem:s14+$0x9D20] =	vst.add.f32.msk $0xffff, v15  }
0x1a5: {  	[tilespmem:s14+$0xCF20] =	vst.add.f32.msk $0xffff, v15  }
0x1a6: {  	[tilespmem:s14+$0x9D30] =	vst.add.f32.msk $0xffff, v16  }
0x1a7: {  	[tilespmem:s14+$0xCF30] =	vst.add.f32.msk $0xffff, v16  }
0x1a8: {  	[tilespmem:s14+$0x9D40] =	vst.add.f32.msk $0xffff, v17  }
0x1a9: {  	[tilespmem:s14+$0xCF40] =	vst.add.f32.msk $0xffff, v17  }
0x1aa: {  	[tilespmem:s14+$0x9D50] =	vst.add.f32.msk $0xffff, v18  }
0x1ab: {  	[tilespmem:s14+$0xCF50] =	vst.add.f32.msk $0xffff, v18  }
0x1ac: {  	[tilespmem:s14+$0x9D60] =	vst.add.f32.msk $0xffff, v19  }
0x1ad: {  	[tilespmem:s14+$0xCF60] =	vst.add.f32.msk $0xffff, v19  }
0x1ae: {  	[tilespmem:s14+$0x9D70] =	vst.add.f32.msk $0xffff, v20  }
0x1af: {  	[tilespmem:s14+$0xCF70] =	vst.add.f32.msk $0xffff, v20  }
0x1b0: {  	[tilespmem:s14+$0x9D80] =	vst.add.f32.msk $0xffff, v21  }
0x1b1: {  	[tilespmem:s14+$0xCF80] =	vst.add.f32.msk $0xffff, v21  }
0x1b2: {  	[tilespmem:s14+$0x9D90] =	vst.add.f32.msk $0xffff, v22  }
0x1b3: {  	[tilespmem:s14+$0xCF90] =	vst.add.f32.msk $0xffff, v22  }
0x1b4: {  	[tilespmem:s14+$0x9DA0] =	vst.add.f32.msk $0xffff, v23  }
0x1b5: {  	[tilespmem:s14+$0xCFA0] =	vst.add.f32.msk $0xffff, v23  }
0x1b6: {  	[tilespmem:s14+$0x9DB0] =	vst.add.f32.msk $0xffff, v24  }
0x1b7: {  	[tilespmem:s14+$0xCFB0] =	vst.add.f32.msk $0xffff, v24  }
0x1b8: {  	[tilespmem:s14+$0x9DC0] =	vst.add.f32.msk $0xffff, v25  }
0x1b9: {  	[tilespmem:s14+$0xCFC0] =	vst.add.f32.msk $0xffff, v25  }
0x1ba: {  	[tilespmem:s14+$0x9DD0] =	vst.add.f32.msk $0xffff, v26  }
0x1bb: {  	[tilespmem:s14+$0xCFD0] =	vst.add.f32.msk $0xffff, v26  }
0x1bc: {  	[tilespmem:s14+$0x9DE0] =	vst.add.f32.msk $0xffff, v27  }
0x1bd: {  	[tilespmem:s14+$0xCFE0] =	vst.add.f32.msk $0xffff, v27  }
0x1be: {  	[tilespmem:s14+$0x9DF0] =	vst.add.f32.msk $0xffff, v28  }
0x1bf: {  	[tilespmem:s14+$0xCFF0] =	vst.add.f32.msk $0xffff, v28  }
0x1c0: {  	[tilespmem:s14+$0x9E00] =	vst.add.f32.msk $0xffff, v29  }
.Ltmp3:
0x1c1: {  	[tilespmem:s14+$0xD000] =	vst.add.f32.msk $0xffff, v29;
	(pc) =	sbr.rel @p1 .LBB2_5-.Ltmp3, $4  }
0x1c2: {  	[tilespmem:s14+$0x9E10] =	vst.add.f32.msk $0xffff, v30  }
0x1c3: {  	[tilespmem:s14+$0xD010] =	vst.add.f32.msk $0xffff, v30  }
0x1c4: {  	[tilespmem:s14+$0x9E20] =	vst.add.f32.msk $0xffff, v31  }
0x1c5: {  	s18 =	sadd.s32 $0x800, s18;
	[tilespmem:s14+$0xD020] =	vst.add.f32.msk $0xffff, v31  }
0x1c6: {  	s8 =	sadd.s32 s20, s7  }
0x1c7: {  	s18 =	smul.u32 $0xC80, s8;
	_ =	sdelay $0x1  }
0x1c8: {  	s18 =	sadd.s32 s3, s18  }
0x1c9: {  	[tilespmem:s14+$0x9E30] =	vst.add.f32.msk $0xffff, v0;
	s14 =	simm.s32 @!p0 $0x8;
	s22 =	sadd.s32 $0xC80, s18  }
0x1ca: {  	[hbm4b:s22+s4] =	stream.linear.scatter [tilespmem:s24], [sflag:$0x6], $0x6400, $0x38;
	[tilespmem:$0x1C840] =	vst v63  }
0x1cb: {  	_ =	swait.ge @!p0 [sflag:s14], $0x6400  }
0x1cc: {  	[sflag:s14] =	ssyncset.done @!p0 $0x0  }
0x1cd: {  	[sflag:s14] =	ssyncadd.s32 @!p0 $0xFFFF9C00  }
0x1ce: {  	p0 =	seq.s32 s16, $0xF;
	_ =	swait.ge [sflag:s31], $0x190  }
0x1cf: {  	s14 =	sadd.s32 @!p0 s20, s11;
	[sflag:s31] =	ssyncset.done $0x0  }
0x1d0: {  	s14 =	smul.u32 @!p0 $0x32, s14;
	[sflag:s31] =	ssyncadd.s32 $0xFFFFFE70  }
0x1d1: {  	[tilespmem:s0], [sflag:$0x4] =	stream.indirect.gather [hbm4b:s5+s21], $0x40, s29, s21, $0xb8;
	[tilespmem:$0x1C840] =	vst v63  }
0x1d2: {  	s18 =	simm.s32 @!p0 $0x0;
	s22 =	simm.s32 @!p0 $0x3200;
	s14 =	sadd.s32 @!p0 s1, s14  }
0x1d3: {  	[tilespmem:s22], [sflag:$0x9] =	stream.linear.gather @!p0 [hbm4b:s14+s18], $0x190, $0x38;
	[tilespmem:$0x1C840] =	vst v63  }
0x1d4: {  	_ =	swait.ge [sflag:s2], $0x6400  }
0x1d5: {  	[sflag:s2] =	ssyncset.done $0x0  }
0x1d6: {  	s14 =	simm.s32 $0x0;
	[sflag:s2] =	ssyncadd.s32 $0xFFFF9C00  }
0x1d7: {  	v0 =	vld [tilespmem:s14+$0x1F0]  }
0x1d8: {  	v1 =	vld [tilespmem:s14+$0x0]  }
0x1d9: {  	v2 =	vld [tilespmem:s14+$0x10]  }
0x1da: {  	v3 =	vld [tilespmem:s14+$0x20]  }
0x1db: {  	v4 =	vld [tilespmem:s14+$0x30]  }
0x1dc: {  	v5 =	vld [tilespmem:s14+$0x40]  }
0x1dd: {  	v6 =	vld [tilespmem:s14+$0x50]  }
0x1de: {  	v7 =	vld [tilespmem:s14+$0x60]  }
0x1df: {  	v8 =	vld [tilespmem:s14+$0x70]  }
0x1e0: {  	v9 =	vld [tilespmem:s14+$0x80]  }
0x1e1: {  	v10 =	vld [tilespmem:s14+$0x90]  }
0x1e2: {  	v11 =	vld [tilespmem:s14+$0xA0]  }
0x1e3: {  	v12 =	vld [tilespmem:s14+$0xB0]  }
0x1e4: {  	v13 =	vld [tilespmem:s14+$0xC0]  }
0x1e5: {  	v14 =	vld [tilespmem:s14+$0xD0]  }
0x1e6: {  	v15 =	vld [tilespmem:s14+$0xE0]  }
0x1e7: {  	v16 =	vld [tilespmem:s14+$0xF0]  }
0x1e8: {  	v17 =	vld [tilespmem:s14+$0x100]  }
0x1e9: {  	v18 =	vld [tilespmem:s14+$0x110]  }
0x1ea: {  	v19 =	vld [tilespmem:s14+$0x120]  }
0x1eb: {  	v20 =	vld [tilespmem:s14+$0x130]  }
0x1ec: {  	v21 =	vld [tilespmem:s14+$0x140]  }
0x1ed: {  	v22 =	vld [tilespmem:s14+$0x150]  }
0x1ee: {  	v23 =	vld [tilespmem:s14+$0x160]  }
0x1ef: {  	v24 =	vld [tilespmem:s14+$0x170]  }
0x1f0: {  	v25 =	vld [tilespmem:s14+$0x180]  }
0x1f1: {  	v26 =	vld [tilespmem:s14+$0x190]  }
0x1f2: {  	v27 =	vld [tilespmem:s14+$0x1A0]  }
0x1f3: {  	v28 =	vld [tilespmem:s14+$0x1B0]  }
0x1f4: {  	v29 =	vld [tilespmem:s14+$0x1C0]  }
0x1f5: {  	v30 =	vld [tilespmem:s14+$0x1D0]  }
0x1f6: {  	v31 =	vld [tilespmem:s14+$0x1E0]  }
0x1f7: {  	[tilespmem:s14+$0x13430] =	vst.add.f32.msk $0xffff, v0  }
0x1f8: {  	[tilespmem:s14+$0x10040] =	vst.add.f32.msk $0xffff, v1  }
0x1f9: {  	[tilespmem:s14+$0x13240] =	vst.add.f32.msk $0xffff, v1  }
0x1fa: {  	[tilespmem:s14+$0x10050] =	vst.add.f32.msk $0xffff, v2  }
0x1fb: {  	[tilespmem:s14+$0x13250] =	vst.add.f32.msk $0xffff, v2  }
0x1fc: {  	[tilespmem:s14+$0x10060] =	vst.add.f32.msk $0xffff, v3  }
0x1fd: {  	[tilespmem:s14+$0x13260] =	vst.add.f32.msk $0xffff, v3  }
0x1fe: {  	[tilespmem:s14+$0x10070] =	vst.add.f32.msk $0xffff, v4  }
0x1ff: {  	[tilespmem:s14+$0x13270] =	vst.add.f32.msk $0xffff, v4  }
0x200: {  	[tilespmem:s14+$0x10080] =	vst.add.f32.msk $0xffff, v5  }
0x201: {  	[tilespmem:s14+$0x13280] =	vst.add.f32.msk $0xffff, v5  }
0x202: {  	[tilespmem:s14+$0x10090] =	vst.add.f32.msk $0xffff, v6  }
0x203: {  	[tilespmem:s14+$0x13290] =	vst.add.f32.msk $0xffff, v6  }
0x204: {  	[tilespmem:s14+$0x100A0] =	vst.add.f32.msk $0xffff, v7  }
0x205: {  	[tilespmem:s14+$0x132A0] =	vst.add.f32.msk $0xffff, v7  }
0x206: {  	[tilespmem:s14+$0x100B0] =	vst.add.f32.msk $0xffff, v8  }
0x207: {  	[tilespmem:s14+$0x132B0] =	vst.add.f32.msk $0xffff, v8  }
0x208: {  	[tilespmem:s14+$0x100C0] =	vst.add.f32.msk $0xffff, v9  }
0x209: {  	[tilespmem:s14+$0x132C0] =	vst.add.f32.msk $0xffff, v9  }
0x20a: {  	[tilespmem:s14+$0x100D0] =	vst.add.f32.msk $0xffff, v10  }
0x20b: {  	[tilespmem:s14+$0x132D0] =	vst.add.f32.msk $0xffff, v10  }
0x20c: {  	[tilespmem:s14+$0x100E0] =	vst.add.f32.msk $0xffff, v11  }
0x20d: {  	[tilespmem:s14+$0x132E0] =	vst.add.f32.msk $0xffff, v11  }
0x20e: {  	[tilespmem:s14+$0x100F0] =	vst.add.f32.msk $0xffff, v12  }
0x20f: {  	[tilespmem:s14+$0x132F0] =	vst.add.f32.msk $0xffff, v12  }
0x210: {  	[tilespmem:s14+$0x10100] =	vst.add.f32.msk $0xffff, v13  }
0x211: {  	[tilespmem:s14+$0x13300] =	vst.add.f32.msk $0xffff, v13  }
0x212: {  	[tilespmem:s14+$0x10110] =	vst.add.f32.msk $0xffff, v14  }
0x213: {  	[tilespmem:s14+$0x13310] =	vst.add.f32.msk $0xffff, v14  }
0x214: {  	[tilespmem:s14+$0x10120] =	vst.add.f32.msk $0xffff, v15  }
0x215: {  	[tilespmem:s14+$0x13320] =	vst.add.f32.msk $0xffff, v15  }
0x216: {  	[tilespmem:s14+$0x10130] =	vst.add.f32.msk $0xffff, v16  }
0x217: {  	[tilespmem:s14+$0x13330] =	vst.add.f32.msk $0xffff, v16  }
0x218: {  	[tilespmem:s14+$0x10140] =	vst.add.f32.msk $0xffff, v17  }
0x219: {  	[tilespmem:s14+$0x13340] =	vst.add.f32.msk $0xffff, v17  }
0x21a: {  	[tilespmem:s14+$0x10150] =	vst.add.f32.msk $0xffff, v18  }
0x21b: {  	[tilespmem:s14+$0x13350] =	vst.add.f32.msk $0xffff, v18  }
0x21c: {  	[tilespmem:s14+$0x10160] =	vst.add.f32.msk $0xffff, v19  }
0x21d: {  	[tilespmem:s14+$0x13360] =	vst.add.f32.msk $0xffff, v19  }
0x21e: {  	[tilespmem:s14+$0x10170] =	vst.add.f32.msk $0xffff, v20  }
0x21f: {  	[tilespmem:s14+$0x13370] =	vst.add.f32.msk $0xffff, v20  }
0x220: {  	[tilespmem:s14+$0x10180] =	vst.add.f32.msk $0xffff, v21  }
0x221: {  	[tilespmem:s14+$0x13380] =	vst.add.f32.msk $0xffff, v21  }
0x222: {  	[tilespmem:s14+$0x10190] =	vst.add.f32.msk $0xffff, v22  }
0x223: {  	[tilespmem:s14+$0x13390] =	vst.add.f32.msk $0xffff, v22  }
0x224: {  	[tilespmem:s14+$0x101A0] =	vst.add.f32.msk $0xffff, v23  }
0x225: {  	[tilespmem:s14+$0x133A0] =	vst.add.f32.msk $0xffff, v23  }
0x226: {  	[tilespmem:s14+$0x101B0] =	vst.add.f32.msk $0xffff, v24  }
0x227: {  	[tilespmem:s14+$0x133B0] =	vst.add.f32.msk $0xffff, v24  }
0x228: {  	[tilespmem:s14+$0x101C0] =	vst.add.f32.msk $0xffff, v25  }
0x229: {  	[tilespmem:s14+$0x133C0] =	vst.add.f32.msk $0xffff, v25  }
0x22a: {  	[tilespmem:s14+$0x101D0] =	vst.add.f32.msk $0xffff, v26  }
0x22b: {  	[tilespmem:s14+$0x133D0] =	vst.add.f32.msk $0xffff, v26  }
0x22c: {  	[tilespmem:s14+$0x101E0] =	vst.add.f32.msk $0xffff, v27  }
0x22d: {  	[tilespmem:s14+$0x133E0] =	vst.add.f32.msk $0xffff, v27  }
0x22e: {  	[tilespmem:s14+$0x101F0] =	vst.add.f32.msk $0xffff, v28  }
0x22f: {  	[tilespmem:s14+$0x133F0] =	vst.add.f32.msk $0xffff, v28  }
0x230: {  	[tilespmem:s14+$0x10200] =	vst.add.f32.msk $0xffff, v29  }
0x231: {  	[tilespmem:s14+$0x13400] =	vst.add.f32.msk $0xffff, v29  }
0x232: {  	[tilespmem:s14+$0x10210] =	vst.add.f32.msk $0xffff, v30  }
0x233: {  	[tilespmem:s14+$0x13410] =	vst.add.f32.msk $0xffff, v30  }
0x234: {  	[tilespmem:s14+$0x10220] =	vst.add.f32.msk $0xffff, v31  }
0x235: {  	s8 =	sadd.s32 $0x2, s8;
	s18 =	simm.s32 $0x0;
	s22 =	simm.s32 $0x800;
	[tilespmem:s14+$0x13420] =	vst.add.f32.msk $0xffff, v31  }
.LBB2_7:
0x236: {  	s18 =	sadd.s32 $0x8, s18;
	[tilespmem:s14+$0x10230] =	vst.add.f32.msk $0xffff, v0;
	s14 =	sshra.s32 s22, $0x2  }
0x237: {  	v0 =	vld [tilespmem:s14+$0x1F0];
	p1 =	slt.u32 s18, $0xC0  }
0x238: {  	v1 =	vld [tilespmem:s14+$0x0]  }
0x239: {  	v2 =	vld [tilespmem:s14+$0x10]  }
0x23a: {  	v3 =	vld [tilespmem:s14+$0x20]  }
0x23b: {  	v4 =	vld [tilespmem:s14+$0x30]  }
0x23c: {  	[tilespmem:s14+$0x13430] =	vst.add.f32.msk $0xffff, v0  }
0x23d: {  	v5 =	vld [tilespmem:s14+$0x40]  }
0x23e: {  	v6 =	vld [tilespmem:s14+$0x50]  }
0x23f: {  	v7 =	vld [tilespmem:s14+$0x60]  }
0x240: {  	v8 =	vld [tilespmem:s14+$0x70]  }
0x241: {  	v9 =	vld [tilespmem:s14+$0x80]  }
0x242: {  	v10 =	vld [tilespmem:s14+$0x90]  }
0x243: {  	v11 =	vld [tilespmem:s14+$0xA0]  }
0x244: {  	v12 =	vld [tilespmem:s14+$0xB0]  }
0x245: {  	v13 =	vld [tilespmem:s14+$0xC0]  }
0x246: {  	v14 =	vld [tilespmem:s14+$0xD0]  }
0x247: {  	v15 =	vld [tilespmem:s14+$0xE0]  }
0x248: {  	v16 =	vld [tilespmem:s14+$0xF0]  }
0x249: {  	v17 =	vld [tilespmem:s14+$0x100]  }
0x24a: {  	v18 =	vld [tilespmem:s14+$0x110]  }
0x24b: {  	v19 =	vld [tilespmem:s14+$0x120]  }
0x24c: {  	v20 =	vld [tilespmem:s14+$0x130]  }
0x24d: {  	v21 =	vld [tilespmem:s14+$0x140]  }
0x24e: {  	v22 =	vld [tilespmem:s14+$0x150]  }
0x24f: {  	v23 =	vld [tilespmem:s14+$0x160]  }
0x250: {  	v24 =	vld [tilespmem:s14+$0x170]  }
0x251: {  	v25 =	vld [tilespmem:s14+$0x180]  }
0x252: {  	v26 =	vld [tilespmem:s14+$0x190]  }
0x253: {  	v27 =	vld [tilespmem:s14+$0x1A0]  }
0x254: {  	v28 =	vld [tilespmem:s14+$0x1B0]  }
0x255: {  	v29 =	vld [tilespmem:s14+$0x1C0]  }
0x256: {  	v30 =	vld [tilespmem:s14+$0x1D0]  }
0x257: {  	v31 =	vld [tilespmem:s14+$0x1E0]  }
0x258: {  	[tilespmem:s14+$0x10040] =	vst.add.f32.msk $0xffff, v1  }
0x259: {  	[tilespmem:s14+$0x13240] =	vst.add.f32.msk $0xffff, v1  }
0x25a: {  	[tilespmem:s14+$0x10050] =	vst.add.f32.msk $0xffff, v2  }
0x25b: {  	[tilespmem:s14+$0x13250] =	vst.add.f32.msk $0xffff, v2  }
0x25c: {  	[tilespmem:s14+$0x10060] =	vst.add.f32.msk $0xffff, v3  }
0x25d: {  	[tilespmem:s14+$0x13260] =	vst.add.f32.msk $0xffff, v3  }
0x25e: {  	[tilespmem:s14+$0x10070] =	vst.add.f32.msk $0xffff, v4  }
0x25f: {  	[tilespmem:s14+$0x13270] =	vst.add.f32.msk $0xffff, v4  }
0x260: {  	[tilespmem:s14+$0x10080] =	vst.add.f32.msk $0xffff, v5  }
0x261: {  	[tilespmem:s14+$0x13280] =	vst.add.f32.msk $0xffff, v5  }
0x262: {  	[tilespmem:s14+$0x10090] =	vst.add.f32.msk $0xffff, v6  }
0x263: {  	[tilespmem:s14+$0x13290] =	vst.add.f32.msk $0xffff, v6  }
0x264: {  	[tilespmem:s14+$0x100A0] =	vst.add.f32.msk $0xffff, v7  }
0x265: {  	[tilespmem:s14+$0x132A0] =	vst.add.f32.msk $0xffff, v7  }
0x266: {  	[tilespmem:s14+$0x100B0] =	vst.add.f32.msk $0xffff, v8  }
0x267: {  	[tilespmem:s14+$0x132B0] =	vst.add.f32.msk $0xffff, v8  }
0x268: {  	[tilespmem:s14+$0x100C0] =	vst.add.f32.msk $0xffff, v9  }
0x269: {  	[tilespmem:s14+$0x132C0] =	vst.add.f32.msk $0xffff, v9  }
0x26a: {  	[tilespmem:s14+$0x100D0] =	vst.add.f32.msk $0xffff, v10  }
0x26b: {  	[tilespmem:s14+$0x132D0] =	vst.add.f32.msk $0xffff, v10  }
0x26c: {  	[tilespmem:s14+$0x100E0] =	vst.add.f32.msk $0xffff, v11  }
0x26d: {  	[tilespmem:s14+$0x132E0] =	vst.add.f32.msk $0xffff, v11  }
0x26e: {  	[tilespmem:s14+$0x100F0] =	vst.add.f32.msk $0xffff, v12  }
0x26f: {  	[tilespmem:s14+$0x132F0] =	vst.add.f32.msk $0xffff, v12  }
0x270: {  	[tilespmem:s14+$0x10100] =	vst.add.f32.msk $0xffff, v13  }
0x271: {  	[tilespmem:s14+$0x13300] =	vst.add.f32.msk $0xffff, v13  }
0x272: {  	[tilespmem:s14+$0x10110] =	vst.add.f32.msk $0xffff, v14  }
0x273: {  	[tilespmem:s14+$0x13310] =	vst.add.f32.msk $0xffff, v14  }
0x274: {  	[tilespmem:s14+$0x10120] =	vst.add.f32.msk $0xffff, v15  }
0x275: {  	[tilespmem:s14+$0x13320] =	vst.add.f32.msk $0xffff, v15  }
0x276: {  	[tilespmem:s14+$0x10130] =	vst.add.f32.msk $0xffff, v16  }
0x277: {  	[tilespmem:s14+$0x13330] =	vst.add.f32.msk $0xffff, v16  }
0x278: {  	[tilespmem:s14+$0x10140] =	vst.add.f32.msk $0xffff, v17  }
0x279: {  	[tilespmem:s14+$0x13340] =	vst.add.f32.msk $0xffff, v17  }
0x27a: {  	[tilespmem:s14+$0x10150] =	vst.add.f32.msk $0xffff, v18  }
0x27b: {  	[tilespmem:s14+$0x13350] =	vst.add.f32.msk $0xffff, v18  }
0x27c: {  	[tilespmem:s14+$0x10160] =	vst.add.f32.msk $0xffff, v19  }
0x27d: {  	[tilespmem:s14+$0x13360] =	vst.add.f32.msk $0xffff, v19  }
0x27e: {  	[tilespmem:s14+$0x10170] =	vst.add.f32.msk $0xffff, v20  }
0x27f: {  	[tilespmem:s14+$0x13370] =	vst.add.f32.msk $0xffff, v20  }
0x280: {  	[tilespmem:s14+$0x10180] =	vst.add.f32.msk $0xffff, v21  }
0x281: {  	[tilespmem:s14+$0x13380] =	vst.add.f32.msk $0xffff, v21  }
0x282: {  	[tilespmem:s14+$0x10190] =	vst.add.f32.msk $0xffff, v22  }
0x283: {  	[tilespmem:s14+$0x13390] =	vst.add.f32.msk $0xffff, v22  }
0x284: {  	[tilespmem:s14+$0x101A0] =	vst.add.f32.msk $0xffff, v23  }
0x285: {  	[tilespmem:s14+$0x133A0] =	vst.add.f32.msk $0xffff, v23  }
0x286: {  	[tilespmem:s14+$0x101B0] =	vst.add.f32.msk $0xffff, v24  }
0x287: {  	[tilespmem:s14+$0x133B0] =	vst.add.f32.msk $0xffff, v24  }
0x288: {  	[tilespmem:s14+$0x101C0] =	vst.add.f32.msk $0xffff, v25  }
0x289: {  	[tilespmem:s14+$0x133C0] =	vst.add.f32.msk $0xffff, v25  }
0x28a: {  	[tilespmem:s14+$0x101D0] =	vst.add.f32.msk $0xffff, v26  }
0x28b: {  	[tilespmem:s14+$0x133D0] =	vst.add.f32.msk $0xffff, v26  }
0x28c: {  	[tilespmem:s14+$0x101E0] =	vst.add.f32.msk $0xffff, v27  }
0x28d: {  	[tilespmem:s14+$0x133E0] =	vst.add.f32.msk $0xffff, v27  }
0x28e: {  	[tilespmem:s14+$0x101F0] =	vst.add.f32.msk $0xffff, v28  }
0x28f: {  	[tilespmem:s14+$0x133F0] =	vst.add.f32.msk $0xffff, v28  }
0x290: {  	[tilespmem:s14+$0x10200] =	vst.add.f32.msk $0xffff, v29  }
.Ltmp4:
0x291: {  	[tilespmem:s14+$0x13400] =	vst.add.f32.msk $0xffff, v29;
	(pc) =	sbr.rel @p1 .LBB2_7-.Ltmp4, $4  }
0x292: {  	[tilespmem:s14+$0x10210] =	vst.add.f32.msk $0xffff, v30  }
0x293: {  	[tilespmem:s14+$0x13410] =	vst.add.f32.msk $0xffff, v30  }
0x294: {  	[tilespmem:s14+$0x10220] =	vst.add.f32.msk $0xffff, v31  }
0x295: {  	s22 =	sadd.s32 $0x800, s22;
	[tilespmem:s14+$0x13420] =	vst.add.f32.msk $0xffff, v31  }
0x296: {  	s8 =	smul.u32 $0xC80, s8;
	_ =	sdelay $0x1  }
0x297: {  	[tilespmem:s14+$0x10230] =	vst.add.f32.msk $0xffff, v0;
	s8 =	sadd.s32 s3, s8  }
0x298: {  	[hbm4b:s8+s4] =	stream.linear.scatter [tilespmem:s28], [sflag:$0x7], $0x6400, $0x38;
	[tilespmem:$0x1C840] =	vst v63  }
0x299: {  	_ =	swait.ge [sflag:s17], $0x6400  }
0x29a: {  	[sflag:s17] =	ssyncset.done $0x0  }
0x29b: {  	s8 =	simm.s32 @!p0 $0x9;
	[sflag:s17] =	ssyncadd.s32 $0xFFFF9C00  }
0x29c: {  	s14 =	sadd.s32 @!p0 s20, s12;
	_ =	swait.ge @!p0 [sflag:s8], $0x190  }
0x29d: {  	s18 =	simm.s32 @!p0 $0x3200;
	s22 =	simm.s32 @!p0 $0x3840;
	[sflag:s8] =	ssyncset.done @!p0 $0x0  }
0x29e: {  	s14 =	smul.u32 @!p0 $0x32, s14;
	[sflag:s8] =	ssyncadd.s32 @!p0 $0xFFFFFE70;
	s8 =	simm.s32 @!p0 $0x190  }
0x29f: {  	[tilespmem:s22], [sflag:$0x1] =	stream.indirect.gather @!p0 [hbm4b:s5+s8], $0x40, s18, s8, $0xb8;
	[tilespmem:$0x1C840] =	vst v63  }
0x2a0: {  	s8 =	sadd.s32 @!p0 s1, s14;
	s14 =	simm.s32 @!p0 $0x0;
	s18 =	simm.s32 @!p0 $0x3390  }
0x2a1: {  	[tilespmem:s18], [sflag:$0xA] =	stream.linear.gather @!p0 [hbm4b:s8+s14], $0x190, $0x38;
	[tilespmem:$0x1C840] =	vst v63  }
0x2a2: {  	_ =	swait.ge [sflag:s6], $0x6400  }
0x2a3: {  	[sflag:s6] =	ssyncset.done $0x0  }
0x2a4: {  	s14 =	simm.s32 $0x0;
	[sflag:s6] =	ssyncadd.s32 $0xFFFF9C00  }
0x2a5: {  	v0 =	vld [tilespmem:s14+$0x1F0]  }
0x2a6: {  	v1 =	vld [tilespmem:s14+$0x0]  }
0x2a7: {  	v2 =	vld [tilespmem:s14+$0x10]  }
0x2a8: {  	v3 =	vld [tilespmem:s14+$0x20]  }
0x2a9: {  	v4 =	vld [tilespmem:s14+$0x30]  }
0x2aa: {  	v5 =	vld [tilespmem:s14+$0x40]  }
0x2ab: {  	v6 =	vld [tilespmem:s14+$0x50]  }
0x2ac: {  	v7 =	vld [tilespmem:s14+$0x60]  }
0x2ad: {  	v8 =	vld [tilespmem:s14+$0x70]  }
0x2ae: {  	v9 =	vld [tilespmem:s14+$0x80]  }
0x2af: {  	v10 =	vld [tilespmem:s14+$0x90]  }
0x2b0: {  	v11 =	vld [tilespmem:s14+$0xA0]  }
0x2b1: {  	v12 =	vld [tilespmem:s14+$0xB0]  }
0x2b2: {  	v13 =	vld [tilespmem:s14+$0xC0]  }
0x2b3: {  	v14 =	vld [tilespmem:s14+$0xD0]  }
0x2b4: {  	v15 =	vld [tilespmem:s14+$0xE0]  }
0x2b5: {  	v16 =	vld [tilespmem:s14+$0xF0]  }
0x2b6: {  	v17 =	vld [tilespmem:s14+$0x100]  }
0x2b7: {  	v18 =	vld [tilespmem:s14+$0x110]  }
0x2b8: {  	v19 =	vld [tilespmem:s14+$0x120]  }
0x2b9: {  	v20 =	vld [tilespmem:s14+$0x130]  }
0x2ba: {  	v21 =	vld [tilespmem:s14+$0x140]  }
0x2bb: {  	v22 =	vld [tilespmem:s14+$0x150]  }
0x2bc: {  	v23 =	vld [tilespmem:s14+$0x160]  }
0x2bd: {  	v24 =	vld [tilespmem:s14+$0x170]  }
0x2be: {  	v25 =	vld [tilespmem:s14+$0x180]  }
0x2bf: {  	v26 =	vld [tilespmem:s14+$0x190]  }
0x2c0: {  	v27 =	vld [tilespmem:s14+$0x1A0]  }
0x2c1: {  	v28 =	vld [tilespmem:s14+$0x1B0]  }
0x2c2: {  	v29 =	vld [tilespmem:s14+$0x1C0]  }
0x2c3: {  	v30 =	vld [tilespmem:s14+$0x1D0]  }
0x2c4: {  	v31 =	vld [tilespmem:s14+$0x1E0]  }
0x2c5: {  	[tilespmem:s14+$0x19830] =	vst.add.f32.msk $0xffff, v0  }
0x2c6: {  	[tilespmem:s14+$0x16440] =	vst.add.f32.msk $0xffff, v1  }
0x2c7: {  	[tilespmem:s14+$0x19640] =	vst.add.f32.msk $0xffff, v1  }
0x2c8: {  	[tilespmem:s14+$0x16450] =	vst.add.f32.msk $0xffff, v2  }
0x2c9: {  	[tilespmem:s14+$0x19650] =	vst.add.f32.msk $0xffff, v2  }
0x2ca: {  	[tilespmem:s14+$0x16460] =	vst.add.f32.msk $0xffff, v3  }
0x2cb: {  	[tilespmem:s14+$0x19660] =	vst.add.f32.msk $0xffff, v3  }
0x2cc: {  	[tilespmem:s14+$0x16470] =	vst.add.f32.msk $0xffff, v4  }
0x2cd: {  	[tilespmem:s14+$0x19670] =	vst.add.f32.msk $0xffff, v4  }
0x2ce: {  	[tilespmem:s14+$0x16480] =	vst.add.f32.msk $0xffff, v5  }
0x2cf: {  	[tilespmem:s14+$0x19680] =	vst.add.f32.msk $0xffff, v5  }
0x2d0: {  	[tilespmem:s14+$0x16490] =	vst.add.f32.msk $0xffff, v6  }
0x2d1: {  	[tilespmem:s14+$0x19690] =	vst.add.f32.msk $0xffff, v6  }
0x2d2: {  	[tilespmem:s14+$0x164A0] =	vst.add.f32.msk $0xffff, v7  }
0x2d3: {  	[tilespmem:s14+$0x196A0] =	vst.add.f32.msk $0xffff, v7  }
0x2d4: {  	[tilespmem:s14+$0x164B0] =	vst.add.f32.msk $0xffff, v8  }
0x2d5: {  	[tilespmem:s14+$0x196B0] =	vst.add.f32.msk $0xffff, v8  }
0x2d6: {  	[tilespmem:s14+$0x164C0] =	vst.add.f32.msk $0xffff, v9  }
0x2d7: {  	[tilespmem:s14+$0x196C0] =	vst.add.f32.msk $0xffff, v9  }
0x2d8: {  	[tilespmem:s14+$0x164D0] =	vst.add.f32.msk $0xffff, v10  }
0x2d9: {  	[tilespmem:s14+$0x196D0] =	vst.add.f32.msk $0xffff, v10  }
0x2da: {  	[tilespmem:s14+$0x164E0] =	vst.add.f32.msk $0xffff, v11  }
0x2db: {  	[tilespmem:s14+$0x196E0] =	vst.add.f32.msk $0xffff, v11  }
0x2dc: {  	[tilespmem:s14+$0x164F0] =	vst.add.f32.msk $0xffff, v12  }
0x2dd: {  	[tilespmem:s14+$0x196F0] =	vst.add.f32.msk $0xffff, v12  }
0x2de: {  	[tilespmem:s14+$0x16500] =	vst.add.f32.msk $0xffff, v13  }
0x2df: {  	[tilespmem:s14+$0x19700] =	vst.add.f32.msk $0xffff, v13  }
0x2e0: {  	[tilespmem:s14+$0x16510] =	vst.add.f32.msk $0xffff, v14  }
0x2e1: {  	[tilespmem:s14+$0x19710] =	vst.add.f32.msk $0xffff, v14  }
0x2e2: {  	[tilespmem:s14+$0x16520] =	vst.add.f32.msk $0xffff, v15  }
0x2e3: {  	[tilespmem:s14+$0x19720] =	vst.add.f32.msk $0xffff, v15  }
0x2e4: {  	[tilespmem:s14+$0x16530] =	vst.add.f32.msk $0xffff, v16  }
0x2e5: {  	[tilespmem:s14+$0x19730] =	vst.add.f32.msk $0xffff, v16  }
0x2e6: {  	[tilespmem:s14+$0x16540] =	vst.add.f32.msk $0xffff, v17  }
0x2e7: {  	[tilespmem:s14+$0x19740] =	vst.add.f32.msk $0xffff, v17  }
0x2e8: {  	[tilespmem:s14+$0x16550] =	vst.add.f32.msk $0xffff, v18  }
0x2e9: {  	[tilespmem:s14+$0x19750] =	vst.add.f32.msk $0xffff, v18  }
0x2ea: {  	[tilespmem:s14+$0x16560] =	vst.add.f32.msk $0xffff, v19  }
0x2eb: {  	[tilespmem:s14+$0x19760] =	vst.add.f32.msk $0xffff, v19  }
0x2ec: {  	[tilespmem:s14+$0x16570] =	vst.add.f32.msk $0xffff, v20  }
0x2ed: {  	[tilespmem:s14+$0x19770] =	vst.add.f32.msk $0xffff, v20  }
0x2ee: {  	[tilespmem:s14+$0x16580] =	vst.add.f32.msk $0xffff, v21  }
0x2ef: {  	[tilespmem:s14+$0x19780] =	vst.add.f32.msk $0xffff, v21  }
0x2f0: {  	[tilespmem:s14+$0x16590] =	vst.add.f32.msk $0xffff, v22  }
0x2f1: {  	[tilespmem:s14+$0x19790] =	vst.add.f32.msk $0xffff, v22  }
0x2f2: {  	[tilespmem:s14+$0x165A0] =	vst.add.f32.msk $0xffff, v23  }
0x2f3: {  	[tilespmem:s14+$0x197A0] =	vst.add.f32.msk $0xffff, v23  }
0x2f4: {  	[tilespmem:s14+$0x165B0] =	vst.add.f32.msk $0xffff, v24  }
0x2f5: {  	[tilespmem:s14+$0x197B0] =	vst.add.f32.msk $0xffff, v24  }
0x2f6: {  	[tilespmem:s14+$0x165C0] =	vst.add.f32.msk $0xffff, v25  }
0x2f7: {  	[tilespmem:s14+$0x197C0] =	vst.add.f32.msk $0xffff, v25  }
0x2f8: {  	[tilespmem:s14+$0x165D0] =	vst.add.f32.msk $0xffff, v26  }
0x2f9: {  	[tilespmem:s14+$0x197D0] =	vst.add.f32.msk $0xffff, v26  }
0x2fa: {  	[tilespmem:s14+$0x165E0] =	vst.add.f32.msk $0xffff, v27  }
0x2fb: {  	[tilespmem:s14+$0x197E0] =	vst.add.f32.msk $0xffff, v27  }
0x2fc: {  	[tilespmem:s14+$0x165F0] =	vst.add.f32.msk $0xffff, v28  }
0x2fd: {  	[tilespmem:s14+$0x197F0] =	vst.add.f32.msk $0xffff, v28  }
0x2fe: {  	[tilespmem:s14+$0x16600] =	vst.add.f32.msk $0xffff, v29  }
0x2ff: {  	[tilespmem:s14+$0x19800] =	vst.add.f32.msk $0xffff, v29  }
0x300: {  	[tilespmem:s14+$0x16610] =	vst.add.f32.msk $0xffff, v30  }
0x301: {  	[tilespmem:s14+$0x19810] =	vst.add.f32.msk $0xffff, v30  }
0x302: {  	[tilespmem:s14+$0x16620] =	vst.add.f32.msk $0xffff, v31  }
0x303: {  	s8 =	simm.s32 $0x0;
	s18 =	simm.s32 $0x800;
	[tilespmem:s14+$0x19820] =	vst.add.f32.msk $0xffff, v31  }
.LBB2_9:
0x304: {  	s8 =	sadd.s32 $0x8, s8;
	[tilespmem:s14+$0x16630] =	vst.add.f32.msk $0xffff, v0;
	s14 =	sshra.s32 s18, $0x2  }
0x305: {  	v0 =	vld [tilespmem:s14+$0x1F0];
	p1 =	slt.u32 s8, $0xC0  }
0x306: {  	v1 =	vld [tilespmem:s14+$0x0]  }
0x307: {  	v2 =	vld [tilespmem:s14+$0x10]  }
0x308: {  	v3 =	vld [tilespmem:s14+$0x20]  }
0x309: {  	v4 =	vld [tilespmem:s14+$0x30]  }
0x30a: {  	[tilespmem:s14+$0x19830] =	vst.add.f32.msk $0xffff, v0  }
0x30b: {  	v5 =	vld [tilespmem:s14+$0x40]  }
0x30c: {  	v6 =	vld [tilespmem:s14+$0x50]  }
0x30d: {  	v7 =	vld [tilespmem:s14+$0x60]  }
0x30e: {  	v8 =	vld [tilespmem:s14+$0x70]  }
0x30f: {  	v9 =	vld [tilespmem:s14+$0x80]  }
0x310: {  	v10 =	vld [tilespmem:s14+$0x90]  }
0x311: {  	v11 =	vld [tilespmem:s14+$0xA0]  }
0x312: {  	v12 =	vld [tilespmem:s14+$0xB0]  }
0x313: {  	v13 =	vld [tilespmem:s14+$0xC0]  }
0x314: {  	v14 =	vld [tilespmem:s14+$0xD0]  }
0x315: {  	v15 =	vld [tilespmem:s14+$0xE0]  }
0x316: {  	v16 =	vld [tilespmem:s14+$0xF0]  }
0x317: {  	v17 =	vld [tilespmem:s14+$0x100]  }
0x318: {  	v18 =	vld [tilespmem:s14+$0x110]  }
0x319: {  	v19 =	vld [tilespmem:s14+$0x120]  }
0x31a: {  	v20 =	vld [tilespmem:s14+$0x130]  }
0x31b: {  	v21 =	vld [tilespmem:s14+$0x140]  }
0x31c: {  	v22 =	vld [tilespmem:s14+$0x150]  }
0x31d: {  	v23 =	vld [tilespmem:s14+$0x160]  }
0x31e: {  	v24 =	vld [tilespmem:s14+$0x170]  }
0x31f: {  	v25 =	vld [tilespmem:s14+$0x180]  }
0x320: {  	v26 =	vld [tilespmem:s14+$0x190]  }
0x321: {  	v27 =	vld [tilespmem:s14+$0x1A0]  }
0x322: {  	v28 =	vld [tilespmem:s14+$0x1B0]  }
0x323: {  	v29 =	vld [tilespmem:s14+$0x1C0]  }
0x324: {  	v30 =	vld [tilespmem:s14+$0x1D0]  }
0x325: {  	v31 =	vld [tilespmem:s14+$0x1E0]  }
0x326: {  	[tilespmem:s14+$0x16440] =	vst.add.f32.msk $0xffff, v1  }
0x327: {  	[tilespmem:s14+$0x19640] =	vst.add.f32.msk $0xffff, v1  }
0x328: {  	[tilespmem:s14+$0x16450] =	vst.add.f32.msk $0xffff, v2  }
0x329: {  	[tilespmem:s14+$0x19650] =	vst.add.f32.msk $0xffff, v2  }
0x32a: {  	[tilespmem:s14+$0x16460] =	vst.add.f32.msk $0xffff, v3  }
0x32b: {  	[tilespmem:s14+$0x19660] =	vst.add.f32.msk $0xffff, v3  }
0x32c: {  	[tilespmem:s14+$0x16470] =	vst.add.f32.msk $0xffff, v4  }
0x32d: {  	[tilespmem:s14+$0x19670] =	vst.add.f32.msk $0xffff, v4  }
0x32e: {  	[tilespmem:s14+$0x16480] =	vst.add.f32.msk $0xffff, v5  }
0x32f: {  	[tilespmem:s14+$0x19680] =	vst.add.f32.msk $0xffff, v5  }
0x330: {  	[tilespmem:s14+$0x16490] =	vst.add.f32.msk $0xffff, v6  }
0x331: {  	[tilespmem:s14+$0x19690] =	vst.add.f32.msk $0xffff, v6  }
0x332: {  	[tilespmem:s14+$0x164A0] =	vst.add.f32.msk $0xffff, v7  }
0x333: {  	[tilespmem:s14+$0x196A0] =	vst.add.f32.msk $0xffff, v7  }
0x334: {  	[tilespmem:s14+$0x164B0] =	vst.add.f32.msk $0xffff, v8  }
0x335: {  	[tilespmem:s14+$0x196B0] =	vst.add.f32.msk $0xffff, v8  }
0x336: {  	[tilespmem:s14+$0x164C0] =	vst.add.f32.msk $0xffff, v9  }
0x337: {  	[tilespmem:s14+$0x196C0] =	vst.add.f32.msk $0xffff, v9  }
0x338: {  	[tilespmem:s14+$0x164D0] =	vst.add.f32.msk $0xffff, v10  }
0x339: {  	[tilespmem:s14+$0x196D0] =	vst.add.f32.msk $0xffff, v10  }
0x33a: {  	[tilespmem:s14+$0x164E0] =	vst.add.f32.msk $0xffff, v11  }
0x33b: {  	[tilespmem:s14+$0x196E0] =	vst.add.f32.msk $0xffff, v11  }
0x33c: {  	[tilespmem:s14+$0x164F0] =	vst.add.f32.msk $0xffff, v12  }
0x33d: {  	[tilespmem:s14+$0x196F0] =	vst.add.f32.msk $0xffff, v12  }
0x33e: {  	[tilespmem:s14+$0x16500] =	vst.add.f32.msk $0xffff, v13  }
0x33f: {  	[tilespmem:s14+$0x19700] =	vst.add.f32.msk $0xffff, v13  }
0x340: {  	[tilespmem:s14+$0x16510] =	vst.add.f32.msk $0xffff, v14  }
0x341: {  	[tilespmem:s14+$0x19710] =	vst.add.f32.msk $0xffff, v14  }
0x342: {  	[tilespmem:s14+$0x16520] =	vst.add.f32.msk $0xffff, v15  }
0x343: {  	[tilespmem:s14+$0x19720] =	vst.add.f32.msk $0xffff, v15  }
0x344: {  	[tilespmem:s14+$0x16530] =	vst.add.f32.msk $0xffff, v16  }
0x345: {  	[tilespmem:s14+$0x19730] =	vst.add.f32.msk $0xffff, v16  }
0x346: {  	[tilespmem:s14+$0x16540] =	vst.add.f32.msk $0xffff, v17  }
0x347: {  	[tilespmem:s14+$0x19740] =	vst.add.f32.msk $0xffff, v17  }
0x348: {  	[tilespmem:s14+$0x16550] =	vst.add.f32.msk $0xffff, v18  }
0x349: {  	[tilespmem:s14+$0x19750] =	vst.add.f32.msk $0xffff, v18  }
0x34a: {  	[tilespmem:s14+$0x16560] =	vst.add.f32.msk $0xffff, v19  }
0x34b: {  	[tilespmem:s14+$0x19760] =	vst.add.f32.msk $0xffff, v19  }
0x34c: {  	[tilespmem:s14+$0x16570] =	vst.add.f32.msk $0xffff, v20  }
0x34d: {  	[tilespmem:s14+$0x19770] =	vst.add.f32.msk $0xffff, v20  }
0x34e: {  	[tilespmem:s14+$0x16580] =	vst.add.f32.msk $0xffff, v21  }
0x34f: {  	[tilespmem:s14+$0x19780] =	vst.add.f32.msk $0xffff, v21  }
0x350: {  	[tilespmem:s14+$0x16590] =	vst.add.f32.msk $0xffff, v22  }
0x351: {  	[tilespmem:s14+$0x19790] =	vst.add.f32.msk $0xffff, v22  }
0x352: {  	[tilespmem:s14+$0x165A0] =	vst.add.f32.msk $0xffff, v23  }
0x353: {  	[tilespmem:s14+$0x197A0] =	vst.add.f32.msk $0xffff, v23  }
0x354: {  	[tilespmem:s14+$0x165B0] =	vst.add.f32.msk $0xffff, v24  }
0x355: {  	[tilespmem:s14+$0x197B0] =	vst.add.f32.msk $0xffff, v24  }
0x356: {  	[tilespmem:s14+$0x165C0] =	vst.add.f32.msk $0xffff, v25  }
0x357: {  	[tilespmem:s14+$0x197C0] =	vst.add.f32.msk $0xffff, v25  }
0x358: {  	[tilespmem:s14+$0x165D0] =	vst.add.f32.msk $0xffff, v26  }
0x359: {  	[tilespmem:s14+$0x197D0] =	vst.add.f32.msk $0xffff, v26  }
0x35a: {  	[tilespmem:s14+$0x165E0] =	vst.add.f32.msk $0xffff, v27  }
0x35b: {  	[tilespmem:s14+$0x197E0] =	vst.add.f32.msk $0xffff, v27  }
0x35c: {  	[tilespmem:s14+$0x165F0] =	vst.add.f32.msk $0xffff, v28  }
0x35d: {  	[tilespmem:s14+$0x197F0] =	vst.add.f32.msk $0xffff, v28  }
0x35e: {  	[tilespmem:s14+$0x16600] =	vst.add.f32.msk $0xffff, v29  }
.Ltmp5:
0x35f: {  	[tilespmem:s14+$0x19800] =	vst.add.f32.msk $0xffff, v29;
	(pc) =	sbr.rel @p1 .LBB2_9-.Ltmp5, $4  }
0x360: {  	[tilespmem:s14+$0x16610] =	vst.add.f32.msk $0xffff, v30  }
0x361: {  	[tilespmem:s14+$0x19810] =	vst.add.f32.msk $0xffff, v30  }
0x362: {  	[tilespmem:s14+$0x16620] =	vst.add.f32.msk $0xffff, v31  }
0x363: {  	s18 =	sadd.s32 $0x800, s18;
	[tilespmem:s14+$0x19820] =	vst.add.f32.msk $0xffff, v31  }
0x364: {  	s8 =	smul.u32 $0xC80, s10;
	_ =	sdelay $0x1  }
.Ltmp6:
0x365: {  	[tilespmem:s14+$0x16630] =	vst.add.f32.msk $0xffff, v0;
	s8 =	sadd.s32 s3, s8;
	(pc) =	sbr.rel @p0 .LBB2_12-.Ltmp6, $4  }
0x366: {  	[hbm4b:s8+s4] =	stream.linear.scatter [tilespmem:s0], [sflag:$0x8], $0x6400, $0x38;
	[tilespmem:$0x1C840] =	vst v63  }
0x367: {  	_ =	swait.ge [sflag:s9], $0x6400  }
0x368: {  	[sflag:s9] =	ssyncset.done $0x0  }
0x369: {  	[sflag:s9] =	ssyncadd.s32 $0xFFFF9C00  }
0x36a: {  	_ =	swait.ge [sflag:s23], $0x190  }
.Ltmp7:
0x36b: {  	s8 =	sadd.s32 s20, s13;
	[sflag:s23] =	ssyncset.done $0x0;
	(pc) =	sbr.rel .LBB2_2-.Ltmp7, $4  }
0x36c: {  	s10 =	simm.s32 $0x3390;
	s8 =	smul.u32 $0x32, s8;
	[sflag:s23] =	ssyncadd.s32 $0xFFFFFE70  }
0x36d: {  	[tilespmem:s24], [sflag:$0x2] =	stream.indirect.gather [hbm4b:s5+s21], $0x40, s10, s21, $0xb8;
	[tilespmem:$0x1C840] =	vst v63  }
0x36e: {  	s16 =	sadd.s32 $0x1, s16;
	s8 =	sadd.s32 s1, s8  }
0x36f: {  	[tilespmem:s19], [sflag:$0xB] =	stream.linear.gather [hbm4b:s8+s4], $0x190, $0x38;
	[tilespmem:$0x1C840] =	vst v63  }
.LBB2_13:
0x370: {  	_ =	sfence.sel $0x180000  }
0x371: {  	[bflag:$0x0] =	sbarrier.arrive $0xFFFF  }
0x372: {  	_ =	strace $0x90000047  }
0x373: {  	s0 =	stileid.u32;
	[bflag:$0x2] =	sbarrier.arrive $0xFFFF  }
0x374: {  	p0 =	sne.s32 s0, $0x0;
	s0 =	rddreg [dreg:$0x3]  }
0x375: {  	s0 =	sadd.s32 @!p0 $0x100000, s0  }
0x376: {  	[sflag:s0] =	ssyncadd.tile.s32 @!p0 $0x1;
	_ =	shalt  }
.Lfunc_end2:
_tile_overlayer_lowered:
.L_overlay_start_2:
0x377: {  	(tag) =	ssettag $0x2  }
0x378: {  	s0 =	rddreg [dreg:$0x0];
	s2 =	stileid.u32  }
0x379: {  	s1 =	rddreg [dreg:$0x1];
	p0 =	sne.s32 s2, $0x0  }
0x37a: {  	s3 =	rddreg [dreg:$0x2];
	[bflag:$0x3] =	sbarrier.arrive $0xFFFF;
	s2 =	simm.s32 @!p0 $0x1C0D  }
0x37b: {  	[timem:s3], [sflag:s2] =	dma.local @!p0 [hbm:s0], s1  }
0x37c: {  	s0 =	simm.s32 @!p0 $0xD  }
0x37d: {  	_ =	swait.ge @!p0 [sflag:s0], s1  }
0x37e: {  	s1 =	ssub.s32 @!p0 $0x0, s1;
	[sflag:s0] =	ssyncset.done @!p0 $0x0  }
0x37f: {  	[sflag:s0] =	ssyncadd.s32 @!p0 s1  }
0x380: {  	[bflag:$0x3] =	sbarrier.arrive $0xFFFF  }
0x381: {  	_ =	shalt  }

// kernel: sparse-core-data-format-call.cloned.1.call-start
scs
called_computation_lowered:
.L_overlay_start_0:
0x0: {  	s2 =	sld [smem:$0x3FD9]  }
0x1: {  	s3 =	sld [smem:$0x3FFE];
	_ =	sdelay $0x1  }
0x2: {  	s1 =	srdreg.scid  }
0x3: {  	s0 =	sand.u32 $0x1, s1  }
0x4: {  	s18 =	sshll.u32 s0, $0xA;
	s2 =	sadd.s32 s3, s2  }
0x5: {  	s2 =	sadd.s32 s2, s18  }
0x6: {  	[smem:$0x3FC5] =	sst s2  }
0x7: {  	_ = 	snop  }
0x8: {  	s2 =	sld [smem:$0x3FD0];
	(tm) =	ssettm $0x1  }
0x9: {  	s19 =	sld [smem:$0x3FFB];
	_ =	sdelay $0x3  }
0xa: {  	_ =	strace s19  }
0xb: {  	s3 =	sld [smem:$0x3FFC];
	_ =	sdelay $0x3  }
0xc: {  	_ =	strace s3  }
0xd: {  	s3 =	sld [smem:$0x3FFD];
	_ =	sdelay $0x3  }
0xe: {  	_ =	strace s3  }
0xf: {  	_ =	strace $0x8FFFFFFF  }
0x10: {  	s20 =	sld [smem:$0x3FDB];
	_ =	sdelay $0x1  }
0x11: {  	s4 =	simm.s32 $_scs_section_size  }
0x12: {  	s5 =	simm.s32 $_size__tile_overlayer_lowered;
	s6 =	simm.s32 $_tile_overlayer_lowered  }
0x13: {  	s23 =	simm.s32 $0x1BFF;
	s22 =	sshll.u32 s6, $0x1;
	s3 =	sadd.s32 s4, s20  }
0x14: {  	s7 =	simm.s32 $0x0;
	s21 =	sshll.u32 s5, $0x1;
	s5 =	sadd.s32 s22, s3  }
0x15: {  	[timem:s7], [sflag:s23] =	dma.local [hbm:s5], s21  }
0x16: {  	_ =	swait.ge [sflag:s23], s21  }
0x17: {  	s4 =	ssub.s32 $0x0, s21;
	[sflag:s23] =	ssyncset.done $0x0  }
0x18: {  	[sflag:s23] =	ssyncadd.s32 s4;
	_ =	sdelay $0x1  }
0x19: {  	s24 =	simm.s32 $0x1B8B  }
0x1a: {  	_ =	swait.ge [sflag:s24], $0x1  }
0x1b: {  	[sflag:s24] =	ssyncset.done $0x0  }
0x1c: {  	s26 =	simm.s32 $0x1B8E;
	s25 =	sld [smem:$0x3FFE];
	[sflag:s24] =	ssyncadd.s32 $0xFFFFFFFF  }
0x1d: {  	s27 =	simm.s32 $execute0_lowered;
	[smem:$0x3FD2] =	sst s26  }
0x1e: {  	s5 =	sshll.u32 s27, $0x1;
	_ =	strace $0x80000049;
	[dreg:$0x1] =	wrdreg $0xFFFFFFFF  }
0x1f: {  	s28 =	simm.s32 $_size_execute0_lowered;
	s3 =	sadd.s32 s3, s5;
	[dreg:$0x0] =	wrdreg $0x0  }
0x20: {  	s5 =	sshll.u32 s28, $0x1;
	[dreg:$0x2] =	wrdreg s3  }
0x21: {  	[dreg:$0x3] =	wrdreg s5  }
0x22: {  	[dreg:$0x4] =	wrdreg $0xC0  }
0x23: {  	_ =	task [dreg:s7], $0x5FFFF  }
0x24: {  	[dreg:$0x1] =	wrdreg $0xFFFFFFFF  }
0x25: {  	[dreg:$0x0] =	wrdreg $0x60  }
0x26: {  	[dreg:$0x2] =	wrdreg s25  }
0x27: {  	[dreg:$0x3] =	wrdreg s2  }
0x28: {  	[dreg:$0x4] =	wrdreg $0x9  }
0x29: {  	_ =	task.clear_ibuf [dreg:s7], $0x5FFFF;
	_ =	strace $0x90000049  }
0x2a: {  	s29 =	simm.s32 $0x9;
	_ =	strace $0x8000004B  }
0x2b: {  	_ =	swait.ge [sflag:s29], $0x1  }
0x2c: {  	[sflag:s29] =	ssyncadd.s32 $0xFFFFFFFF  }
0x2d: {  	_ =	strace $0x9000004B  }
0x2e: {  	_ =	sfence  }
0x2f: {  	s30 =	sld [smem:$0x0];
	_ =	sdelay $0x2  }
0x30: {  	s31 =	sshll.u32 s1, $0xD;
	s1 =	sshrl.u32 s1, $0x2  }
0x31: {  	s3 =	sand.u32 $0x4000, s31;
	s1 =	sadd.s32 s1, s30  }
0x32: {  	s0 =	sor.u32 s3, s0;
	s1 =	sshll.u32 s1, $0x11  }
0x33: {  	s0 =	sor.u32 s1, s0  }
0x34: {  	s0 =	sadd.s32 $0x8F2B, s0  }
0x35: {  	[sflag:s0] =	ssyncadd.remote.s32 $0x1  }
0x36: {  	_ =	sfence.sel $0xFFFF  }
0x37: {  	[dreg:$0x0] =	wrdreg $0xFFFFFFFF;
	(pc) =	sbr.abs _section_cstart, $3  }
0x38: {  	[dreg:$0x1] =	wrdreg $0xFFFFFFFF  }
0x39: {  	_ =	task.clear_ibuf [dreg:s7], $0x2FFFF;
	_ =	strace $0x9FFFFFFF  }
0x3a: {  	(tm) =	ssettm $0x7FFFFFFF  }
0x3b: {  	_ =	shalt  }
tec
execute0_lowered:
.L_overlay_start_1:
0x0: {  	(tag) =	ssettag $0x1  }
0x1: {  	s7 =	rddreg [dreg:$0x0]  }
0x2: {  	s0 =	stileid.u32;
	s2 =	rddreg [dreg:$0x1]  }
0x3: {  	s1 =	rddreg [dreg:$0x2];
	s4 =	srdreg.scid;
	_ =	strace $0x8000004A  }
0x4: {  	s31 =	simm.s32 $0x2;
	s13 =	simm.s32 $0x0;
	s3 =	sshll.u32 s0, $0x7  }
0x5: {  	s14 =	simm.s32 $0x0;
	s4 =	sand.u32 $0x1, s4;
	s5 =	ssub.s32 $0x800, s3  }
0x6: {  	s12 =	simm.s32 $0x0;
	s8 =	ssub.s32 $0x190, s4;
	s6 =	sand.u32 $0x780, s5  }
0x7: {  	s9 =	sshrl.u32 s5, $0xB;
	p0 =	sne.s32 s6, $0x0;
	s6 =	simm.s32 $0x1  }
.Ltmp0:
0x8: {  	s10 =	sshrl.u32 s8, $0x1;
	s6 =	simm.s32 @!p0 $0x0;
	(pc) =	sbr.rel .LBB1_1-.Ltmp0, $4  }
0x9: {  	s5 =	simm.s32 $0x1;
	s8 =	ssub.s32 s8, s10;
	s6 =	sadd.s32 s6, s9  }
0xa: {  	s7 =	sadd.s32 $0x800, s7;
	[sflag:s5] =	ssyncpa.u1 $0x0;
	s6 =	smul.u32 s8, s6  }
0xb: {  	s11 =	smov.u32 s3;
	s10 =	smov.u32 s4;
	[sflag:s31] =	ssyncpa.u1 $0x0  }
0xc: {  	p0 =	por $0x0, $0x0;
	s9 =	simm.s32 $0x4000;
	s8 =	sadd.s32 $0x1, s6  }
.LBB1_4:
0xd: {  	s17 =	sshll.u32 s14, $0x3;
	s18 =	sand.u32 $0x78, s14  }
0xe: {  	s30 =	sand.u32 $0x3F00, s14;
	s13 =	sshll.u32 s13, $0xE;
	s17 =	sand.u32 $0x400, s17  }
0xf: {  	[tilespmem:s16+$0x810 ss:$0x81] =	vst.msk $0xffff, v2;
	s31 =	sand.u32 $0x7, s14;
	s17 =	sor.u32 s18, s17;
	s18 =	sadd.s32 s2, s30  }
0x10: {  	[tilespmem:s16+$0x1020 ss:$0x81] =	vst.msk $0xffff, v0;
	s14 =	sshll.u32 s31, $0x12;
	s13 =	sadd.s32 s13, s18;
	s17 =	sshrl.u32 s17, $0x3  }
0x11: {  	[tilespmem:s16+$0x0 ss:$0x81] =	vst.msk $0xffff, v1;
	s14 =	sor.u32 $0x400, s14;
	s13 =	sadd.s32 s17, s13  }
0x12: {  	[hbm4b:s13+s14] =	stream.strided.scatter [tilespmem:s15], [sflag:$0x2], $0x2000, s9, s14, $0x20;
	[tilespmem:$0x8080] =	vst v63  }
.LBB1_5:
0x13: {  	s15 =	sadd.s32 $0x2, s10  }
0x14: {  	s13 =	sadd.s32 $0x800, s11;
	s17 =	smov.u32 s11;
	p2 =	sgt.s32 s15, $0x18F  }
0x15: {  	s17 =	smov.u32 @p2 s13  }
0x16: {  	s15 =	smov.u32 @p2 s4;
	p2 =	sgt.s32 s17, $0x7FF  }
0x17: {  	s17 =	smov.u32 @p2 s3;
	p2 =	sne.s32 s12, s8  }
.Ltmp1:
0x18: {  	p1 =	slt.u32 s12, $0x2;
	(pc) =	sbr.rel @!p2 .LBB1_6-.Ltmp1, $4  }
0x19: {  	s16 =	simm.s32 @!p1 $0x2  }
0x1a: {  	s14 =	smov.u32 s11;
	p0 =	por !p0, !p0;
	_ =	swait.ge @!p1 [sflag:s16], $0x2000  }
0x1b: {  	s13 =	smov.u32 s10;
	[sflag:s16] =	ssyncset.done @!p1 $0x0;
	s10 =	smov.u32 s15  }
0x1c: {  	s12 =	sadd.s32 $0x1, s12;
	[sflag:s16] =	ssyncadd.s32 @!p1 $0xFFFFE000;
	s11 =	smov.u32 s17  }
.LBB1_1:
0x1d: {  	p1 =	sge.u32 s12, s6  }
0x1e: {  	s15 =	sand.u32 @!p1 $0x1FFFFFF, s10  }
0x1f: {  	s16 =	smulhi.u32 @!p1 $0x147AE15, s15;
	_ =	sdelay $0x1  }
0x20: {  	s16 =	sshrl.u32 @!p1 s16, $0x1  }
0x21: {  	s16 =	smul.u32 @!p1 $0x190, s16  }
0x22: {  	s17 =	sxor.u32 @!p1 $0xFFFFFFFF, s12;
	s18 =	smul.u32 @!p1 $0x1900, s11  }
0x23: {  	s31 =	sadd.s32 $0xFFFFFFFF, s12;
	s17 =	sshll.u32 @!p1 s17, $0xD;
	s15 =	ssub.s32 @!p1 s15, s16  }
0x24: {  	s16 =	sand.u32 @!p1 $0x2000, s17;
	s17 =	sadd.s32 @!p1 s7, s18;
	s15 =	sshll.u32 @!p1 s15, $0x4  }
0x25: {  	s18 =	simm.s32 @!p1 $0xC800;
	s15 =	sadd.s32 @!p1 s15, s17;
	s17 =	simm.s32 @!p1 $0x40  }
0x26: {  	[tilespmem:s16], [sflag:$0x1] =	stream.strided.gather @!p1 [hbm4b:s15+s17], $0x2000, s18, s17, $0x38;
	[tilespmem:$0x8080] =	vst v63  }
0x27: {  	p1 =	sge.u32 s31, s6  }
.Ltmp2:
0x28: {  	_ = 	snop;
	(pc) =	sbr.rel @p1 .LBB1_5-.Ltmp2, $1  }
0x29: {  	_ =	sdelay $0x3  }
0x2a: {  	s15 =	simm.s32 $0x1  }
0x2b: {  	_ =	swait.ge [sflag:s5], $0x2000;
	s15 =	simm.s32 @!p0 $0x0  }
0x2c: {  	[sflag:s5] =	ssyncset.done $0x0;
	s16 =	sshll.u32 s15, $0xD  }
0x2d: {  	[sflag:s5] =	ssyncadd.s32 $0xFFFFE000;
	s19 =	sor.u32 $0x20, s16  }
0x2e: {  	s15 =	smul.u32 $0x8100, s15;
	v3 =	vld [tilespmem:s19+$0x10]  }
0x2f: {  	s30 =	sand.u32 $0x1, s12;
	v2 =	vld [tilespmem:s19+$0xFFFFFFF0]  }
0x30: {  	s16 =	smul.u32 $0x8100, s30;
	s15 =	sshrl.u32 s15, $0x2;
	v0 =	vld [tilespmem:s19+$0x0]  }
0x31: {  	v1 =	vld [tilespmem:s19+$0xFFFFFFE0];
	s17 =	sor.u32 $0x4000, s15  }
0x32: {  	s31 =	sshrl.u32 s16, $0x2;
	s16 =	sadd.s32 $0x0, s17  }
0x33: {  	s18 =	simm.s32 $0x4;
	s19 =	sadd.s32 $0x40, s19;
	s15 =	sor.u32 $0x4000, s31;
	[tilespmem:s16+$0x1830 ss:$0x81] =	vst.msk $0xffff, v3  }
.LBB1_3:
0x34: {  	v3 =	vld [tilespmem:s19+$0x10];
	p1 =	sne.s32 s18, $0x1FC;
	[tilespmem:s16+$0x810 ss:$0x81] =	vst.msk $0xffff, v2;
	s20 =	smov.u32 s18;
	s18 =	sadd.s32 $0x4, s18  }
.Ltmp3:
0x35: {  	v2 =	vld [tilespmem:s19+$0xFFFFFFF0];
	[tilespmem:s16+$0x1020 ss:$0x81] =	vst.msk $0xffff, v0;
	(pc) =	sbr.rel @p1 .LBB1_3-.Ltmp3, $4  }
0x36: {  	v0 =	vld [tilespmem:s19+$0x0];
	[tilespmem:s16+$0x0 ss:$0x81] =	vst.msk $0xffff, v1  }
0x37: {  	s16 =	sshra.s32 s20, $0x2;
	v1 =	vld [tilespmem:s19+$0xFFFFFFE0]  }
0x38: {  	s16 =	sadd.s32 s16, s17  }
0x39: {  	s19 =	sadd.s32 $0x40, s19;
	[tilespmem:s16+$0x1830 ss:$0x81] =	vst.msk $0xffff, v3  }
.Ltmp4:
0x3a: {  	_ = 	snop;
	(pc) =	sbr.rel .LBB1_4-.Ltmp4, $1  }
0x3b: {  	_ =	sdelay $0x3  }
.LBB1_6:
0x3c: {  	_ =	sfence.sel $0x180000  }
0x3d: {  	s2 =	simm.s32 $0x1;
	[bflag:$0x0] =	sbarrier.arrive $0xFFFF  }
0x3e: {  	s31 =	simm.s32 $0x2;
	[sflag:s2] =	ssyncpa.u1 $0x1  }
0x3f: {  	[sflag:s31] =	ssyncpa.u1 $0x1  }
0x40: {  	p0 =	sne.s32 s0, $0x0;
	_ =	strace $0x9000004A  }
0x41: {  	s0 =	sadd.s32 @!p0 $0x100000, s1;
	[bflag:$0x2] =	sbarrier.arrive $0xFFFF  }
0x42: {  	[sflag:s0] =	ssyncadd.tile.s32 @!p0 $0x1;
	_ =	shalt  }
.Lfunc_end1:
_tile_overlayer_lowered:
.L_overlay_start_2:
0x43: {  	(tag) =	ssettag $0x2  }
0x44: {  	s0 =	rddreg [dreg:$0x0];
	s2 =	stileid.u32  }
0x45: {  	s1 =	rddreg [dreg:$0x1];
	p0 =	sne.s32 s2, $0x0  }
0x46: {  	s3 =	rddreg [dreg:$0x2];
	[bflag:$0x3] =	sbarrier.arrive $0xFFFF;
	s2 =	simm.s32 @!p0 $0x1C01  }
0x47: {  	[timem:s3], [sflag:s2] =	dma.local @!p0 [hbm:s0], s1  }
0x48: {  	s0 =	simm.s32 @!p0 $0x1  }
0x49: {  	_ =	swait.ge @!p0 [sflag:s0], s1  }
0x4a: {  	s1 =	ssub.s32 @!p0 $0x0, s1;
	[sflag:s0] =	ssyncset.done @!p0 $0x0  }
0x4b: {  	[sflag:s0] =	ssyncadd.s32 @!p0 s1  }
0x4c: {  	[bflag:$0x3] =	sbarrier.arrive $0xFFFF  }
0x4d: {  	_ =	shalt  }

</sc_bundles>
